<compile_context>
chip_gen: v7x
topology: tpu7x:2x2x1
jax: 0.10.2.dev20260603
libtpu: 0.0.44.dev20260713+nightly
codegen_flags: <defaults>
</compile_context>

<pallas_src>
import functools

import jax
import jax.numpy as jnp
from jax import lax
from jax.experimental import pallas as pl
from jax.experimental.pallas import tpu as pltpu
from jax.experimental.pallas import tpu_sc as plsc

_BN = 3072
_SLICES = 8
_COMMITMENT_COST = 0.25


def _vq_idx_block(z_ref, w_ref, idx_ref, loss_ref, bt_ref, w2_ref, kio_ref):
    i = pl.program_id(0)
    z = z_ref[...]
    kf = float(w_ref.shape[0])

    @pl.when(i == 0)
    def _():
        w = w_ref[...]
        bt_ref[...] = jnp.sum(w * w, axis=1)[None, :]
        w2_ref[...] = w * (-2.0)
        kio_ref[...] = lax.broadcasted_iota(
            jnp.int32, kio_ref.shape, 1).astype(jnp.float32)
        loss_ref[0, 0] = 0.0

    w2 = w2_ref[...]
    bt = bt_ref[...]
    kiota = kio_ref[...]

    def part(zh):
        c2 = lax.dot_general(zh, w2, (((1,), (1,)), ((), ())),
                             preferred_element_type=jnp.float32)
        a = jnp.sum(zh * zh, axis=1, keepdims=True)
        dist = (a + bt) + c2
        min_d = jnp.min(dist, axis=1, keepdims=True)
        idxf = jnp.min(jnp.where(dist == min_d, kiota, kf), axis=1,
                       keepdims=True)
        return idxf.astype(jnp.int32), jnp.sum(min_d)

    h = _BN // _SLICES
    parts = [part(z[s * h:(s + 1) * h, :]) for s in range(_SLICES)]
    for s, (ix, _) in enumerate(parts):
        idx_ref[s * h:(s + 1) * h, :] = ix
    loss_ref[0, 0] += sum(l for _, l in parts)


def _tc_indices(z, W):
    n, dim = z.shape
    k = W.shape[0]
    grid = n // _BN
    idx, loss_sum = pl.pallas_call(
        _vq_idx_block,
        grid=(grid,),
        in_specs=[
            pl.BlockSpec((_BN, dim), lambda i: (i, 0)),
            pl.BlockSpec((k, dim), lambda i: (0, 0)),
        ],
        out_specs=[
            pl.BlockSpec((_BN, 1), lambda i: (i, 0)),
            pl.BlockSpec(block_shape=(1, 1), index_map=lambda i: (0, 0),
                         memory_space=pltpu.SMEM),
        ],
        out_shape=[
            jax.ShapeDtypeStruct((n, 1), jnp.int32),
            jax.ShapeDtypeStruct((1, 1), jnp.float32),
        ],
        scratch_shapes=[
            pltpu.VMEM((1, k), jnp.float32),
            pltpu.VMEM((k, dim), jnp.float32),
            pltpu.VMEM((1, k), jnp.float32),
        ],
    )(z, W)
    return idx, loss_sum


def _make_sc_gather(n, k, dim):
    info = plsc.get_sparse_core_info()
    nc, ns = info.num_cores, info.num_subcores
    nw = nc * ns
    bpw = n // nw
    n_chunks = -(-bpw // 128)
    while bpw % n_chunks:
        n_chunks += 1
    chunk = bpw // n_chunks
    mesh = plsc.VectorSubcoreMesh(core_axis_name="c", subcore_axis_name="s")

    @functools.partial(
        pl.kernel, mesh=mesh,
        out_type=jax.ShapeDtypeStruct((n, 128), jnp.float32),
        scratch_types=[
            pltpu.VMEM((bpw,), jnp.int32),
            pltpu.VMEM((bpw, 128), jnp.float32),
            pltpu.SemaphoreType.DMA,
        ],
    )
    def sc_gather(table_hbm, idx_hbm, out_hbm, idx_v, rows_v, sem):
        wid = lax.axis_index("s") * nc + lax.axis_index("c")
        base = wid * bpw
        pltpu.sync_copy(idx_hbm.at[pl.ds(base, bpw)], idx_v)
        copies = [
            pltpu.async_copy(
                table_hbm.at[idx_v.at[pl.ds(c * chunk, chunk)]],
                rows_v.at[pl.ds(c * chunk, chunk)], sem)
            for c in range(n_chunks)
        ]
        for cp in copies:
            cp.wait()
        pltpu.sync_copy(rows_v, out_hbm.at[pl.ds(base, bpw)])

    return sc_gather


def kernel(z, W):
    n, dim = z.shape
    k = W.shape[0]
    idx, loss_sum = _tc_indices(z, W)
    w_pad = jnp.pad(W, ((0, 0), (0, 128 - dim)))
    zq = _make_sc_gather(n, k, dim)(w_pad, idx.reshape(n))[:, :dim]
    loss = loss_sum[0, 0] * ((1.0 + _COMMITMENT_COST) / (n * dim))
    return zq, loss

# --- scband reference (transcript-rebuilt; emitter-appended) ---
"""Pipeline reference for scband-vector-quantizer-36223754175111 (READ-ONLY COPY).

The authoritative reference and input builder live on the scoring server;
editing this copy changes nothing except your own understanding.
"""

import jax, jax.numpy as jnp
import numpy as np

NUM_EMBEDDINGS = 1024
EMBEDDING_DIM = 64
COMMITMENT_COST = 0.25

def setup_inputs(seed: int = 0) -> dict:
    key = jax.random.key(seed)
    k1, k2 = jax.random.split(key)
    z = jax.random.normal(k1, (18432, EMBEDDING_DIM), dtype=jnp.float32)
    # codebook initialized uniform(-1/K, 1/K) as in torch reference
    W = jax.random.uniform(k2, (NUM_EMBEDDINGS, EMBEDDING_DIM), dtype=jnp.float32,
                           minval=-1.0 / NUM_EMBEDDINGS, maxval=1.0 / NUM_EMBEDDINGS)
    return {"z": z, "W": W}

def reference(z, W):
    # distances: [N, K]
    distances = (jnp.sum(z ** 2, axis=1, keepdims=True)
                 + jnp.sum(W ** 2, axis=1)
                 - 2.0 * z @ W.T)
    encoding_indices = jnp.argmin(distances, axis=1)
    z_q = jnp.take(W, encoding_indices, axis=0)
    e_latent_loss = jnp.mean((jax.lax.stop_gradient(z_q) - z) ** 2)
    q_latent_loss = jnp.mean((z_q - jax.lax.stop_gradient(z)) ** 2)
    loss = q_latent_loss + COMMITMENT_COST * e_latent_loss
    z_q_st = z + jax.lax.stop_gradient(z_q - z)
    return (z_q_st, loss)

if __name__ == "__main__":
    import jax
    _d = setup_inputs()
    print(jax.jit(kernel)(*tuple(_d.values())))

</pallas_src>

<mosaic_0001>
#map = affine_map<(d0, d1) -> (0, 0)>
#map1 = affine_map<(d0, d1) -> (0)>
module attributes {stable_mosaic.version = 14 : i64} {
  func.func @sc_gather(%arg0: i32, %arg1: i32, %arg2: memref<1024x128xf32, #tpu.memory_space<hbm>>, %arg3: memref<18432xi32, #tpu.memory_space<hbm>>, %arg4: memref<18432x128xf32, #tpu.memory_space<hbm>>, %arg5: memref<576xi32, #tpu.memory_space<vmem>>, %arg6: memref<576x128xf32, #tpu.memory_space<vmem>>, %arg7: memref<!tpu.dma_semaphore, #tpu.memory_space<semaphore_mem>>) attributes {dimension_semantics = [#tpu.dimension_semantics<core_parallel>, #tpu.dimension_semantics<subcore_parallel>], iteration_bounds = array<i64: 2, 16>, scalar_prefetch = 0 : i64, scratch_operands = 3 : i64, tpu.core_type = #tpu.core_type<sc_vector_subcore>, window_params = [{transform_indices = #map}, {transform_indices = #map1}, {transform_indices = #map}]} {
    %mul3A = arith.constant 2 : i32
    %mul3A_0 = arith.muli %arg1, %mul3A : i32
    %add3A = arith.addi %mul3A_0, %arg0 : i32
    %mul3A_1 = arith.constant 576 : i32
    %mul3A_2 = arith.muli %add3A, %mul3A_1 : i32
    "tpu.region"() ({
      %run_scoped3A = tpu.sem_alloc : memref<!tpu.dma_semaphore, #tpu.memory_space<semaphore_mem>>
      %dma_start3A_97 = tpu.memref_slice %arg3[%mul3A_2] : memref<18432xi32, #tpu.memory_space<hbm>> -> memref<576xi32, #tpu.memory_space<hbm>>
      %dma_start3A_98 = tpu.memref_slice %arg3[%mul3A_2] : memref<18432xi32, #tpu.memory_space<hbm>> -> memref<576xi32, #tpu.memory_space<hbm>>
      tpu.enqueue_dma source(%dma_start3A_98 : memref<576xi32, #tpu.memory_space<hbm>>) target(%arg5 : memref<576xi32, #tpu.memory_space<vmem>>) target_semaphore(%run_scoped3A : memref<!tpu.dma_semaphore, #tpu.memory_space<semaphore_mem>>)
      %dma_wait3A_99 = tpu.memref_slice %arg3[%mul3A_2] : memref<18432xi32, #tpu.memory_space<hbm>> -> memref<576xi32, #tpu.memory_space<hbm>>
      %dma_wait3A_100 = tpu.memref_slice %arg3[%mul3A_2] : memref<18432xi32, #tpu.memory_space<hbm>> -> memref<576xi32, #tpu.memory_space<hbm>>
      tpu.wait_dma2 semaphore(%run_scoped3A : memref<!tpu.dma_semaphore, #tpu.memory_space<semaphore_mem>>) src(%dma_wait3A_100 : memref<576xi32, #tpu.memory_space<hbm>>) dst(%arg5 : memref<576xi32, #tpu.memory_space<vmem>>)
      tpu.yield
    }) : () -> ()
    %dma_start3A = arith.constant 0 : i32
    %dma_start3A_3 = arith.constant 0 : i32
    %dma_start3A_4 = tpu.memref_slice %arg6[%dma_start3A, %dma_start3A_3] : memref<576x128xf32, #tpu.memory_space<vmem>> -> memref<96x128xf32, #tpu.memory_space<vmem>>
    %dma_start3A_5 = arith.constant 0 : i32
    %dma_start3A_6 = tpu.memref_slice %arg5[%dma_start3A_5] : memref<576xi32, #tpu.memory_space<vmem>> -> memref<96xi32, #tpu.memory_space<vmem>>
    %dma_start3A_7 = arith.constant 0 : i32
    %dma_start3A_8 = arith.constant 0 : i32
    %dma_start3A_9 = tpu.memref_slice %arg2[%dma_start3A_7, %dma_start3A_8] : memref<1024x128xf32, #tpu.memory_space<hbm>> -> memref<1024x128xf32, #tpu.memory_space<hbm>>
    tpu.enqueue_indirect_dma source(%dma_start3A_9 : memref<1024x128xf32, #tpu.memory_space<hbm>>) target(%dma_start3A_4 : memref<96x128xf32, #tpu.memory_space<vmem>>) offsets(%dma_start3A_6 : memref<96xi32, #tpu.memory_space<vmem>>) semaphore(%arg7 : memref<!tpu.dma_semaphore, #tpu.memory_space<semaphore_mem>>)
    %dma_start3A_10 = arith.constant 96 : i32
    %dma_start3A_11 = arith.constant 0 : i32
    %dma_start3A_12 = tpu.memref_slice %arg6[%dma_start3A_10, %dma_start3A_11] : memref<576x128xf32, #tpu.memory_space<vmem>> -> memref<96x128xf32, #tpu.memory_space<vmem>>
    %dma_start3A_13 = arith.constant 96 : i32
    %dma_start3A_14 = tpu.memref_slice %arg5[%dma_start3A_13] : memref<576xi32, #tpu.memory_space<vmem>> -> memref<96xi32, #tpu.memory_space<vmem>>
    %dma_start3A_15 = arith.constant 0 : i32
    %dma_start3A_16 = arith.constant 0 : i32
    %dma_start3A_17 = tpu.memref_slice %arg2[%dma_start3A_15, %dma_start3A_16] : memref<1024x128xf32, #tpu.memory_space<hbm>> -> memref<1024x128xf32, #tpu.memory_space<hbm>>
    tpu.enqueue_indirect_dma source(%dma_start3A_17 : memref<1024x128xf32, #tpu.memory_space<hbm>>) target(%dma_start3A_12 : memref<96x128xf32, #tpu.memory_space<vmem>>) offsets(%dma_start3A_14 : memref<96xi32, #tpu.memory_space<vmem>>) semaphore(%arg7 : memref<!tpu.dma_semaphore, #tpu.memory_space<semaphore_mem>>)
    %dma_start3A_18 = arith.constant 192 : i32
    %dma_start3A_19 = arith.constant 0 : i32
    %dma_start3A_20 = tpu.memref_slice %arg6[%dma_start3A_18, %dma_start3A_19] : memref<576x128xf32, #tpu.memory_space<vmem>> -> memref<96x128xf32, #tpu.memory_space<vmem>>
    %dma_start3A_21 = arith.constant 192 : i32
    %dma_start3A_22 = tpu.memref_slice %arg5[%dma_start3A_21] : memref<576xi32, #tpu.memory_space<vmem>> -> memref<96xi32, #tpu.memory_space<vmem>>
    %dma_start3A_23 = arith.constant 0 : i32
    %dma_start3A_24 = arith.constant 0 : i32
    %dma_start3A_25 = tpu.memref_slice %arg2[%dma_start3A_23, %dma_start3A_24] : memref<1024x128xf32, #tpu.memory_space<hbm>> -> memref<1024x128xf32, #tpu.memory_space<hbm>>
    tpu.enqueue_indirect_dma source(%dma_start3A_25 : memref<1024x128xf32, #tpu.memory_space<hbm>>) target(%dma_start3A_20 : memref<96x128xf32, #tpu.memory_space<vmem>>) offsets(%dma_start3A_22 : memref<96xi32, #tpu.memory_space<vmem>>) semaphore(%arg7 : memref<!tpu.dma_semaphore, #tpu.memory_space<semaphore_mem>>)
    %dma_start3A_26 = arith.constant 288 : i32
    %dma_start3A_27 = arith.constant 0 : i32
    %dma_start3A_28 = tpu.memref_slice %arg6[%dma_start3A_26, %dma_start3A_27] : memref<576x128xf32, #tpu.memory_space<vmem>> -> memref<96x128xf32, #tpu.memory_space<vmem>>
    %dma_start3A_29 = arith.constant 288 : i32
    %dma_start3A_30 = tpu.memref_slice %arg5[%dma_start3A_29] : memref<576xi32, #tpu.memory_space<vmem>> -> memref<96xi32, #tpu.memory_space<vmem>>
    %dma_start3A_31 = arith.constant 0 : i32
    %dma_start3A_32 = arith.constant 0 : i32
    %dma_start3A_33 = tpu.memref_slice %arg2[%dma_start3A_31, %dma_start3A_32] : memref<1024x128xf32, #tpu.memory_space<hbm>> -> memref<1024x128xf32, #tpu.memory_space<hbm>>
    tpu.enqueue_indirect_dma source(%dma_start3A_33 : memref<1024x128xf32, #tpu.memory_space<hbm>>) target(%dma_start3A_28 : memref<96x128xf32, #tpu.memory_space<vmem>>) offsets(%dma_start3A_30 : memref<96xi32, #tpu.memory_space<vmem>>) semaphore(%arg7 : memref<!tpu.dma_semaphore, #tpu.memory_space<semaphore_mem>>)
    %dma_start3A_34 = arith.constant 384 : i32
    %dma_start3A_35 = arith.constant 0 : i32
    %dma_start3A_36 = tpu.memref_slice %arg6[%dma_start3A_34, %dma_start3A_35] : memref<576x128xf32, #tpu.memory_space<vmem>> -> memref<96x128xf32, #tpu.memory_space<vmem>>
    %dma_start3A_37 = arith.constant 384 : i32
    %dma_start3A_38 = tpu.memref_slice %arg5[%dma_start3A_37] : memref<576xi32, #tpu.memory_space<vmem>> -> memref<96xi32, #tpu.memory_space<vmem>>
    %dma_start3A_39 = arith.constant 0 : i32
    %dma_start3A_40 = arith.constant 0 : i32
    %dma_start3A_41 = tpu.memref_slice %arg2[%dma_start3A_39, %dma_start3A_40] : memref<1024x128xf32, #tpu.memory_space<hbm>> -> memref<1024x128xf32, #tpu.memory_space<hbm>>
    tpu.enqueue_indirect_dma source(%dma_start3A_41 : memref<1024x128xf32, #tpu.memory_space<hbm>>) target(%dma_start3A_36 : memref<96x128xf32, #tpu.memory_space<vmem>>) offsets(%dma_start3A_38 : memref<96xi32, #tpu.memory_space<vmem>>) semaphore(%arg7 : memref<!tpu.dma_semaphore, #tpu.memory_space<semaphore_mem>>)
    %dma_start3A_42 = arith.constant 480 : i32
    %dma_start3A_43 = arith.constant 0 : i32
    %dma_start3A_44 = tpu.memref_slice %arg6[%dma_start3A_42, %dma_start3A_43] : memref<576x128xf32, #tpu.memory_space<vmem>> -> memref<96x128xf32, #tpu.memory_space<vmem>>
    %dma_start3A_45 = arith.constant 480 : i32
    %dma_start3A_46 = tpu.memref_slice %arg5[%dma_start3A_45] : memref<576xi32, #tpu.memory_space<vmem>> -> memref<96xi32, #tpu.memory_space<vmem>>
    %dma_start3A_47 = arith.constant 0 : i32
    %dma_start3A_48 = arith.constant 0 : i32
    %dma_start3A_49 = tpu.memref_slice %arg2[%dma_start3A_47, %dma_start3A_48] : memref<1024x128xf32, #tpu.memory_space<hbm>> -> memref<1024x128xf32, #tpu.memory_space<hbm>>
    tpu.enqueue_indirect_dma source(%dma_start3A_49 : memref<1024x128xf32, #tpu.memory_space<hbm>>) target(%dma_start3A_44 : memref<96x128xf32, #tpu.memory_space<vmem>>) offsets(%dma_start3A_46 : memref<96xi32, #tpu.memory_space<vmem>>) semaphore(%arg7 : memref<!tpu.dma_semaphore, #tpu.memory_space<semaphore_mem>>)
    %dma_wait3A = arith.constant 0 : i32
    %dma_wait3A_50 = arith.constant 0 : i32
    %dma_wait3A_51 = tpu.memref_slice %arg6[%dma_wait3A, %dma_wait3A_50] : memref<576x128xf32, #tpu.memory_space<vmem>> -> memref<96x128xf32, #tpu.memory_space<vmem>>
    %dma_wait3A_52 = arith.constant 0 : i32
    %dma_wait3A_53 = tpu.memref_slice %arg5[%dma_wait3A_52] : memref<576xi32, #tpu.memory_space<vmem>> -> memref<96xi32, #tpu.memory_space<vmem>>
    %dma_wait3A_54 = arith.constant 0 : i32
    %dma_wait3A_55 = arith.constant 0 : i32
    %dma_wait3A_56 = tpu.memref_slice %arg2[%dma_wait3A_54, %dma_wait3A_55] : memref<1024x128xf32, #tpu.memory_space<hbm>> -> memref<1024x128xf32, #tpu.memory_space<hbm>>
    tpu.wait_indirect_dma semaphore(%arg7 : memref<!tpu.dma_semaphore, #tpu.memory_space<semaphore_mem>>) src(%dma_wait3A_56 : memref<1024x128xf32, #tpu.memory_space<hbm>>) dst(%dma_wait3A_51 : memref<96x128xf32, #tpu.memory_space<vmem>>)
    %dma_wait3A_57 = arith.constant 96 : i32
    %dma_wait3A_58 = arith.constant 0 : i32
    %dma_wait3A_59 = tpu.memref_slice %arg6[%dma_wait3A_57, %dma_wait3A_58] : memref<576x128xf32, #tpu.memory_space<vmem>> -> memref<96x128xf32, #tpu.memory_space<vmem>>
    %dma_wait3A_60 = arith.constant 96 : i32
    %dma_wait3A_61 = tpu.memref_slice %arg5[%dma_wait3A_60] : memref<576xi32, #tpu.memory_space<vmem>> -> memref<96xi32, #tpu.memory_space<vmem>>
    %dma_wait3A_62 = arith.constant 0 : i32
    %dma_wait3A_63 = arith.constant 0 : i32
    %dma_wait3A_64 = tpu.memref_slice %arg2[%dma_wait3A_62, %dma_wait3A_63] : memref<1024x128xf32, #tpu.memory_space<hbm>> -> memref<1024x128xf32, #tpu.memory_space<hbm>>
    tpu.wait_indirect_dma semaphore(%arg7 : memref<!tpu.dma_semaphore, #tpu.memory_space<semaphore_mem>>) src(%dma_wait3A_64 : memref<1024x128xf32, #tpu.memory_space<hbm>>) dst(%dma_wait3A_59 : memref<96x128xf32, #tpu.memory_space<vmem>>)
    %dma_wait3A_65 = arith.constant 192 : i32
    %dma_wait3A_66 = arith.constant 0 : i32
    %dma_wait3A_67 = tpu.memref_slice %arg6[%dma_wait3A_65, %dma_wait3A_66] : memref<576x128xf32, #tpu.memory_space<vmem>> -> memref<96x128xf32, #tpu.memory_space<vmem>>
    %dma_wait3A_68 = arith.constant 192 : i32
    %dma_wait3A_69 = tpu.memref_slice %arg5[%dma_wait3A_68] : memref<576xi32, #tpu.memory_space<vmem>> -> memref<96xi32, #tpu.memory_space<vmem>>
    %dma_wait3A_70 = arith.constant 0 : i32
    %dma_wait3A_71 = arith.constant 0 : i32
    %dma_wait3A_72 = tpu.memref_slice %arg2[%dma_wait3A_70, %dma_wait3A_71] : memref<1024x128xf32, #tpu.memory_space<hbm>> -> memref<1024x128xf32, #tpu.memory_space<hbm>>
    tpu.wait_indirect_dma semaphore(%arg7 : memref<!tpu.dma_semaphore, #tpu.memory_space<semaphore_mem>>) src(%dma_wait3A_72 : memref<1024x128xf32, #tpu.memory_space<hbm>>) dst(%dma_wait3A_67 : memref<96x128xf32, #tpu.memory_space<vmem>>)
    %dma_wait3A_73 = arith.constant 288 : i32
    %dma_wait3A_74 = arith.constant 0 : i32
    %dma_wait3A_75 = tpu.memref_slice %arg6[%dma_wait3A_73, %dma_wait3A_74] : memref<576x128xf32, #tpu.memory_space<vmem>> -> memref<96x128xf32, #tpu.memory_space<vmem>>
    %dma_wait3A_76 = arith.constant 288 : i32
    %dma_wait3A_77 = tpu.memref_slice %arg5[%dma_wait3A_76] : memref<576xi32, #tpu.memory_space<vmem>> -> memref<96xi32, #tpu.memory_space<vmem>>
    %dma_wait3A_78 = arith.constant 0 : i32
    %dma_wait3A_79 = arith.constant 0 : i32
    %dma_wait3A_80 = tpu.memref_slice %arg2[%dma_wait3A_78, %dma_wait3A_79] : memref<1024x128xf32, #tpu.memory_space<hbm>> -> memref<1024x128xf32, #tpu.memory_space<hbm>>
    tpu.wait_indirect_dma semaphore(%arg7 : memref<!tpu.dma_semaphore, #tpu.memory_space<semaphore_mem>>) src(%dma_wait3A_80 : memref<1024x128xf32, #tpu.memory_space<hbm>>) dst(%dma_wait3A_75 : memref<96x128xf32, #tpu.memory_space<vmem>>)
    %dma_wait3A_81 = arith.constant 384 : i32
    %dma_wait3A_82 = arith.constant 0 : i32
    %dma_wait3A_83 = tpu.memref_slice %arg6[%dma_wait3A_81, %dma_wait3A_82] : memref<576x128xf32, #tpu.memory_space<vmem>> -> memref<96x128xf32, #tpu.memory_space<vmem>>
    %dma_wait3A_84 = arith.constant 384 : i32
    %dma_wait3A_85 = tpu.memref_slice %arg5[%dma_wait3A_84] : memref<576xi32, #tpu.memory_space<vmem>> -> memref<96xi32, #tpu.memory_space<vmem>>
    %dma_wait3A_86 = arith.constant 0 : i32
    %dma_wait3A_87 = arith.constant 0 : i32
    %dma_wait3A_88 = tpu.memref_slice %arg2[%dma_wait3A_86, %dma_wait3A_87] : memref<1024x128xf32, #tpu.memory_space<hbm>> -> memref<1024x128xf32, #tpu.memory_space<hbm>>
    tpu.wait_indirect_dma semaphore(%arg7 : memref<!tpu.dma_semaphore, #tpu.memory_space<semaphore_mem>>) src(%dma_wait3A_88 : memref<1024x128xf32, #tpu.memory_space<hbm>>) dst(%dma_wait3A_83 : memref<96x128xf32, #tpu.memory_space<vmem>>)
    %dma_wait3A_89 = arith.constant 480 : i32
    %dma_wait3A_90 = arith.constant 0 : i32
    %dma_wait3A_91 = tpu.memref_slice %arg6[%dma_wait3A_89, %dma_wait3A_90] : memref<576x128xf32, #tpu.memory_space<vmem>> -> memref<96x128xf32, #tpu.memory_space<vmem>>
    %dma_wait3A_92 = arith.constant 480 : i32
    %dma_wait3A_93 = tpu.memref_slice %arg5[%dma_wait3A_92] : memref<576xi32, #tpu.memory_space<vmem>> -> memref<96xi32, #tpu.memory_space<vmem>>
    %dma_wait3A_94 = arith.constant 0 : i32
    %dma_wait3A_95 = arith.constant 0 : i32
    %dma_wait3A_96 = tpu.memref_slice %arg2[%dma_wait3A_94, %dma_wait3A_95] : memref<1024x128xf32, #tpu.memory_space<hbm>> -> memref<1024x128xf32, #tpu.memory_space<hbm>>
    tpu.wait_indirect_dma semaphore(%arg7 : memref<!tpu.dma_semaphore, #tpu.memory_space<semaphore_mem>>) src(%dma_wait3A_96 : memref<1024x128xf32, #tpu.memory_space<hbm>>) dst(%dma_wait3A_91 : memref<96x128xf32, #tpu.memory_space<vmem>>)
    "tpu.region"() ({
      %run_scoped3A = tpu.sem_alloc : memref<!tpu.dma_semaphore, #tpu.memory_space<semaphore_mem>>
      %dma_start3A_97 = arith.constant 0 : i32
      %dma_start3A_98 = tpu.memref_slice %arg4[%mul3A_2, %dma_start3A_97] : memref<18432x128xf32, #tpu.memory_space<hbm>> -> memref<576x128xf32, #tpu.memory_space<hbm>>
      %dma_start3A_99 = arith.constant 0 : i32
      %dma_start3A_100 = tpu.memref_slice %arg4[%mul3A_2, %dma_start3A_99] : memref<18432x128xf32, #tpu.memory_space<hbm>> -> memref<576x128xf32, #tpu.memory_space<hbm>>
      tpu.enqueue_dma source(%arg6 : memref<576x128xf32, #tpu.memory_space<vmem>>) target(%dma_start3A_100 : memref<576x128xf32, #tpu.memory_space<hbm>>) target_semaphore(%run_scoped3A : memref<!tpu.dma_semaphore, #tpu.memory_space<semaphore_mem>>)
      %dma_wait3A_101 = arith.constant 0 : i32
      %dma_wait3A_102 = tpu.memref_slice %arg4[%mul3A_2, %dma_wait3A_101] : memref<18432x128xf32, #tpu.memory_space<hbm>> -> memref<576x128xf32, #tpu.memory_space<hbm>>
      %dma_wait3A_103 = arith.constant 0 : i32
      %dma_wait3A_104 = tpu.memref_slice %arg4[%mul3A_2, %dma_wait3A_103] : memref<18432x128xf32, #tpu.memory_space<hbm>> -> memref<576x128xf32, #tpu.memory_space<hbm>>
      tpu.wait_dma2 semaphore(%run_scoped3A : memref<!tpu.dma_semaphore, #tpu.memory_space<semaphore_mem>>) src(%arg6 : memref<576x128xf32, #tpu.memory_space<vmem>>) dst(%dma_wait3A_104 : memref<576x128xf32, #tpu.memory_space<hbm>>)
      tpu.yield
    }) : () -> ()
    return
  }
}

module attributes {stable_mosaic.version = 14 : i64} {
  func.func @_vq_idx_block(%arg0: i32, %arg1: memref<3072x64xf32, #tpu.memory_space<vmem>>, %arg2: memref<1024x64xf32, #tpu.memory_space<vmem>>, %arg3: memref<3072x1xi32, #tpu.memory_space<vmem>>, %arg4: memref<1x1xf32, #tpu.memory_space<smem>>, %arg5: memref<1x1024xf32, #tpu.memory_space<vmem>>, %arg6: memref<1024x64xf32, #tpu.memory_space<vmem>>, %arg7: memref<1x1024xf32, #tpu.memory_space<vmem>>) attributes {dimension_semantics = [#tpu.dimension_semantics<arbitrary>], iteration_bounds = array<i64: 6>, scalar_prefetch = 0 : i64, scratch_operands = 3 : i64, tpu.core_type = #tpu.core_type<tc>, window_params = [{transform_indices = @transform_0, window_bounds = array<i64: 3072, 64>}, {pipeline_mode = #tpu.pipeline_mode<synchronous>, transform_indices = @transform_1, window_bounds = array<i64: 1024, 64>}, {transform_indices = @transform_2, window_bounds = array<i64: 3072, 1>}, {transform_indices = @transform_3, window_bounds = array<i64: 1, 1>}]} {
    %get3A = arith.constant 0 : index
    %get3A_0 = arith.constant 0 : index
    %get3A_1 = vector.load %arg1[%get3A, %get3A_0] : memref<3072x64xf32, #tpu.memory_space<vmem>>, vector<3072x64xf32>
    %eq3A = arith.constant 0 : i32
    %eq3A_2 = arith.cmpi eq, %arg0, %eq3A : i32
    %convert_element_type3A = arith.extui %eq3A_2 : i1 to i32
    %cond3A = arith.constant 0 : i32
    %cond3A_3 = arith.cmpi ne, %convert_element_type3A, %cond3A : i32
    scf.if %cond3A_3 {
      %get3A_283 = arith.constant 0 : index
      %get3A_284 = arith.constant 0 : index
      %get3A_285 = vector.load %arg2[%get3A_283, %get3A_284] : memref<1024x64xf32, #tpu.memory_space<vmem>>, vector<1024x64xf32>
      %mul3A_286 = arith.mulf %get3A_285, %get3A_285 : vector<1024x64xf32>
      %reduce_sum3A_287 = arith.constant dense<0.000000e+00> : vector<1024xf32>
      %reduce_sum3A_288 = vector.multi_reduction <add>, %mul3A_286, %reduce_sum3A_287 [1] : vector<1024x64xf32> to vector<1024xf32>
      %broadcast_in_dim3A_289 = vector.shape_cast %reduce_sum3A_288 : vector<1024xf32> to vector<1x1024xf32>
      %swap3A_290 = arith.constant 0 : index
      %swap3A_291 = arith.constant 0 : index
      %swap3A_292 = vector.load %arg5[%swap3A_290, %swap3A_291] : memref<1x1024xf32, #tpu.memory_space<vmem>>, vector<1x1024xf32>
      tpu.vector_store %arg5[%swap3A_290, %swap3A_291], %broadcast_in_dim3A_289 {strides = array<i32>} : memref<1x1024xf32, #tpu.memory_space<vmem>>, vector<1x1024xf32>,
      %mul3A_293 = arith.constant -2.000000e+00 : f32
      %mul3A_294 = vector.broadcast %mul3A_293 : f32 to vector<1024x64xf32>
      %mul3A_295 = arith.mulf %get3A_285, %mul3A_294 : vector<1024x64xf32>
      %swap3A_296 = arith.constant 0 : index
      %swap3A_297 = arith.constant 0 : index
      %swap3A_298 = vector.load %arg6[%swap3A_296, %swap3A_297] : memref<1024x64xf32, #tpu.memory_space<vmem>>, vector<1024x64xf32>
      tpu.vector_store %arg6[%swap3A_296, %swap3A_297], %mul3A_295 {strides = array<i32>} : memref<1024x64xf32, #tpu.memory_space<vmem>>, vector<1024x64xf32>,
      %iota3A = tpu.iota {dimensions = array<i32: 1>} : vector<1x1024xi32>
      %convert_element_type3A_299 = arith.sitofp %iota3A : vector<1x1024xi32> to vector<1x1024xf32>
      %swap3A_300 = arith.constant 0 : index
      %swap3A_301 = arith.constant 0 : index
      %swap3A_302 = vector.load %arg7[%swap3A_300, %swap3A_301] : memref<1x1024xf32, #tpu.memory_space<vmem>>, vector<1x1024xf32>
      tpu.vector_store %arg7[%swap3A_300, %swap3A_301], %convert_element_type3A_299 {strides = array<i32>} : memref<1x1024xf32, #tpu.memory_space<vmem>>, vector<1x1024xf32>,
      %swap3A_303 = arith.constant 0.000000e+00 : f32
      %swap3A_304 = arith.constant 0 : index
      %swap3A_305 = arith.constant 0 : index
      %swap3A_306 = memref.load %arg4[%swap3A_304, %swap3A_305] : memref<1x1xf32, #tpu.memory_space<smem>>
      memref.store %swap3A_303, %arg4[%swap3A_304, %swap3A_305] : memref<1x1xf32, #tpu.memory_space<smem>>
    } else {
    }
    %get3A_4 = arith.constant 0 : index
    %get3A_5 = arith.constant 0 : index
    %get3A_6 = vector.load %arg6[%get3A_4, %get3A_5] : memref<1024x64xf32, #tpu.memory_space<vmem>>, vector<1024x64xf32>
    %get3A_7 = arith.constant 0 : index
    %get3A_8 = arith.constant 0 : index
    %get3A_9 = vector.load %arg5[%get3A_7, %get3A_8] : memref<1x1024xf32, #tpu.memory_space<vmem>>, vector<1x1024xf32>
    %get3A_10 = arith.constant 0 : index
    %get3A_11 = arith.constant 0 : index
    %get3A_12 = vector.load %arg7[%get3A_10, %get3A_11] : memref<1x1024xf32, #tpu.memory_space<vmem>>, vector<1x1024xf32>
    %slice3A = vector.extract_strided_slice %get3A_1 {offsets = [0, 0], sizes = [384, 64], strides = [1, 1]} : vector<3072x64xf32> to vector<384x64xf32>
    %dot_general3A = arith.constant dense<0.000000e+00> : vector<384x1024xf32>
    %dot_general3A_13 = tpu.matmul %slice3A, %get3A_6, %dot_general3A {dimension_numbers = #tpu.dot_dimension_numbers<[1], [1], [0], [0], [0, 0, 1, 0], [], []>, transpose_lhs_hint = false} : vector<384x64xf32>, vector<1024x64xf32>, vector<384x1024xf32> -> vector<384x1024xf32>
    %mul3A = arith.mulf %slice3A, %slice3A : vector<384x64xf32>
    %reduce_sum3A = arith.constant dense<0.000000e+00> : vector<384xf32>
    %reduce_sum3A_14 = vector.multi_reduction <add>, %mul3A, %reduce_sum3A [1] : vector<384x64xf32> to vector<384xf32>
    %broadcast_in_dim3A = vector.shape_cast %reduce_sum3A_14 : vector<384xf32> to vector<384x1xf32>
    %add3A = vector.broadcast %broadcast_in_dim3A : vector<384x1xf32> to vector<384x1024xf32>
    %add3A_15 = vector.broadcast %get3A_9 : vector<1x1024xf32> to vector<384x1024xf32>
    %add3A_16 = arith.addf %add3A, %add3A_15 : vector<384x1024xf32>
    %add3A_17 = arith.addf %add3A_16, %dot_general3A_13 : vector<384x1024xf32>
    %reduce_min3A = arith.constant dense<0x7F800000> : vector<384xf32>
    %reduce_min3A_18 = vector.multi_reduction <minimumf>, %add3A_17, %reduce_min3A [1] : vector<384x1024xf32> to vector<384xf32>
    %broadcast_in_dim3A_19 = vector.shape_cast %reduce_min3A_18 : vector<384xf32> to vector<384x1xf32>
    %eq3A_20 = vector.broadcast %broadcast_in_dim3A_19 : vector<384x1xf32> to vector<384x1024xf32>
    %eq3A_21 = arith.cmpf oeq, %add3A_17, %eq3A_20 : vector<384x1024xf32>
    %jit3A = arith.constant 1.024000e+03 : f32
    %broadcast_in_dim3A_22 = vector.shape_cast %get3A_12 : vector<1x1024xf32> to vector<1x1024xf32>
    %broadcast_in_dim3A_23 = vector.broadcast %broadcast_in_dim3A_22 : vector<1x1024xf32> to vector<384x1024xf32>
    %broadcast_in_dim3A_24 = vector.broadcast %jit3A : f32 to vector<384x1024xf32>
    %select_n3A = arith.select %eq3A_21, %broadcast_in_dim3A_23, %broadcast_in_dim3A_24 : vector<384x1024xi1>, vector<384x1024xf32>
    %reduce_min3A_25 = arith.constant dense<0x7F800000> : vector<384xf32>
    %reduce_min3A_26 = vector.multi_reduction <minimumf>, %select_n3A, %reduce_min3A_25 [1] : vector<384x1024xf32> to vector<384xf32>
    %broadcast_in_dim3A_27 = vector.shape_cast %reduce_min3A_26 : vector<384xf32> to vector<384x1xf32>
    %convert_element_type3A_28 = arith.fptosi %broadcast_in_dim3A_27 : vector<384x1xf32> to vector<384x1xi32>
    %reduce_sum3A_29 = vector.shape_cast %broadcast_in_dim3A_19 : vector<384x1xf32> to vector<1x384x1xf32>
    %reduce_sum3A_30 = arith.constant dense<0.000000e+00> : vector<1xf32>
    %reduce_sum3A_31 = vector.multi_reduction <add>, %reduce_sum3A_29, %reduce_sum3A_30 [1, 2] : vector<1x384x1xf32> to vector<1xf32>
    %reduce_sum3A_32 = vector.shape_cast %reduce_sum3A_31 : vector<1xf32> to vector<1x1x1xf32>
    %reduce_sum3A_33 = vector.extract %reduce_sum3A_32[0, 0, 0] : f32 from vector<1x1x1xf32>
    %slice3A_34 = vector.extract_strided_slice %get3A_1 {offsets = [384, 0], sizes = [384, 64], strides = [1, 1]} : vector<3072x64xf32> to vector<384x64xf32>
    %dot_general3A_35 = arith.constant dense<0.000000e+00> : vector<384x1024xf32>
    %dot_general3A_36 = tpu.matmul %slice3A_34, %get3A_6, %dot_general3A_35 {dimension_numbers = #tpu.dot_dimension_numbers<[1], [1], [0], [0], [0, 0, 1, 0], [], []>, transpose_lhs_hint = false} : vector<384x64xf32>, vector<1024x64xf32>, vector<384x1024xf32> -> vector<384x1024xf32>
    %mul3A_37 = arith.mulf %slice3A_34, %slice3A_34 : vector<384x64xf32>
    %reduce_sum3A_38 = arith.constant dense<0.000000e+00> : vector<384xf32>
    %reduce_sum3A_39 = vector.multi_reduction <add>, %mul3A_37, %reduce_sum3A_38 [1] : vector<384x64xf32> to vector<384xf32>
    %broadcast_in_dim3A_40 = vector.shape_cast %reduce_sum3A_39 : vector<384xf32> to vector<384x1xf32>
    %add3A_41 = vector.broadcast %broadcast_in_dim3A_40 : vector<384x1xf32> to vector<384x1024xf32>
    %add3A_42 = vector.broadcast %get3A_9 : vector<1x1024xf32> to vector<384x1024xf32>
    %add3A_43 = arith.addf %add3A_41, %add3A_42 : vector<384x1024xf32>
    %add3A_44 = arith.addf %add3A_43, %dot_general3A_36 : vector<384x1024xf32>
    %reduce_min3A_45 = arith.constant dense<0x7F800000> : vector<384xf32>
    %reduce_min3A_46 = vector.multi_reduction <minimumf>, %add3A_44, %reduce_min3A_45 [1] : vector<384x1024xf32> to vector<384xf32>
    %broadcast_in_dim3A_47 = vector.shape_cast %reduce_min3A_46 : vector<384xf32> to vector<384x1xf32>
    %eq3A_48 = vector.broadcast %broadcast_in_dim3A_47 : vector<384x1xf32> to vector<384x1024xf32>
    %eq3A_49 = arith.cmpf oeq, %add3A_44, %eq3A_48 : vector<384x1024xf32>
    %jit3A_50 = arith.constant 1.024000e+03 : f32
    %broadcast_in_dim3A_51 = vector.shape_cast %get3A_12 : vector<1x1024xf32> to vector<1x1024xf32>
    %broadcast_in_dim3A_52 = vector.broadcast %broadcast_in_dim3A_51 : vector<1x1024xf32> to vector<384x1024xf32>
    %broadcast_in_dim3A_53 = vector.broadcast %jit3A_50 : f32 to vector<384x1024xf32>
    %select_n3A_54 = arith.select %eq3A_49, %broadcast_in_dim3A_52, %broadcast_in_dim3A_53 : vector<384x1024xi1>, vector<384x1024xf32>
    %reduce_min3A_55 = arith.constant dense<0x7F800000> : vector<384xf32>
    %reduce_min3A_56 = vector.multi_reduction <minimumf>, %select_n3A_54, %reduce_min3A_55 [1] : vector<384x1024xf32> to vector<384xf32>
    %broadcast_in_dim3A_57 = vector.shape_cast %reduce_min3A_56 : vector<384xf32> to vector<384x1xf32>
    %convert_element_type3A_58 = arith.fptosi %broadcast_in_dim3A_57 : vector<384x1xf32> to vector<384x1xi32>
    %reduce_sum3A_59 = vector.shape_cast %broadcast_in_dim3A_47 : vector<384x1xf32> to vector<1x384x1xf32>
    %reduce_sum3A_60 = arith.constant dense<0.000000e+00> : vector<1xf32>
    %reduce_sum3A_61 = vector.multi_reduction <add>, %reduce_sum3A_59, %reduce_sum3A_60 [1, 2] : vector<1x384x1xf32> to vector<1xf32>
    %reduce_sum3A_62 = vector.shape_cast %reduce_sum3A_61 : vector<1xf32> to vector<1x1x1xf32>
    %reduce_sum3A_63 = vector.extract %reduce_sum3A_62[0, 0, 0] : f32 from vector<1x1x1xf32>
    %slice3A_64 = vector.extract_strided_slice %get3A_1 {offsets = [768, 0], sizes = [384, 64], strides = [1, 1]} : vector<3072x64xf32> to vector<384x64xf32>
    %dot_general3A_65 = arith.constant dense<0.000000e+00> : vector<384x1024xf32>
    %dot_general3A_66 = tpu.matmul %slice3A_64, %get3A_6, %dot_general3A_65 {dimension_numbers = #tpu.dot_dimension_numbers<[1], [1], [0], [0], [0, 0, 1, 0], [], []>, transpose_lhs_hint = false} : vector<384x64xf32>, vector<1024x64xf32>, vector<384x1024xf32> -> vector<384x1024xf32>
    %mul3A_67 = arith.mulf %slice3A_64, %slice3A_64 : vector<384x64xf32>
    %reduce_sum3A_68 = arith.constant dense<0.000000e+00> : vector<384xf32>
    %reduce_sum3A_69 = vector.multi_reduction <add>, %mul3A_67, %reduce_sum3A_68 [1] : vector<384x64xf32> to vector<384xf32>
    %broadcast_in_dim3A_70 = vector.shape_cast %reduce_sum3A_69 : vector<384xf32> to vector<384x1xf32>
    %add3A_71 = vector.broadcast %broadcast_in_dim3A_70 : vector<384x1xf32> to vector<384x1024xf32>
    %add3A_72 = vector.broadcast %get3A_9 : vector<1x1024xf32> to vector<384x1024xf32>
    %add3A_73 = arith.addf %add3A_71, %add3A_72 : vector<384x1024xf32>
    %add3A_74 = arith.addf %add3A_73, %dot_general3A_66 : vector<384x1024xf32>
    %reduce_min3A_75 = arith.constant dense<0x7F800000> : vector<384xf32>
    %reduce_min3A_76 = vector.multi_reduction <minimumf>, %add3A_74, %reduce_min3A_75 [1] : vector<384x1024xf32> to vector<384xf32>
    %broadcast_in_dim3A_77 = vector.shape_cast %reduce_min3A_76 : vector<384xf32> to vector<384x1xf32>
    %eq3A_78 = vector.broadcast %broadcast_in_dim3A_77 : vector<384x1xf32> to vector<384x1024xf32>
    %eq3A_79 = arith.cmpf oeq, %add3A_74, %eq3A_78 : vector<384x1024xf32>
    %jit3A_80 = arith.constant 1.024000e+03 : f32
    %broadcast_in_dim3A_81 = vector.shape_cast %get3A_12 : vector<1x1024xf32> to vector<1x1024xf32>
    %broadcast_in_dim3A_82 = vector.broadcast %broadcast_in_dim3A_81 : vector<1x1024xf32> to vector<384x1024xf32>
    %broadcast_in_dim3A_83 = vector.broadcast %jit3A_80 : f32 to vector<384x1024xf32>
    %select_n3A_84 = arith.select %eq3A_79, %broadcast_in_dim3A_82, %broadcast_in_dim3A_83 : vector<384x1024xi1>, vector<384x1024xf32>
    %reduce_min3A_85 = arith.constant dense<0x7F800000> : vector<384xf32>
    %reduce_min3A_86 = vector.multi_reduction <minimumf>, %select_n3A_84, %reduce_min3A_85 [1] : vector<384x1024xf32> to vector<384xf32>
    %broadcast_in_dim3A_87 = vector.shape_cast %reduce_min3A_86 : vector<384xf32> to vector<384x1xf32>
    %convert_element_type3A_88 = arith.fptosi %broadcast_in_dim3A_87 : vector<384x1xf32> to vector<384x1xi32>
    %reduce_sum3A_89 = vector.shape_cast %broadcast_in_dim3A_77 : vector<384x1xf32> to vector<1x384x1xf32>
    %reduce_sum3A_90 = arith.constant dense<0.000000e+00> : vector<1xf32>
    %reduce_sum3A_91 = vector.multi_reduction <add>, %reduce_sum3A_89, %reduce_sum3A_90 [1, 2] : vector<1x384x1xf32> to vector<1xf32>
    %reduce_sum3A_92 = vector.shape_cast %reduce_sum3A_91 : vector<1xf32> to vector<1x1x1xf32>
    %reduce_sum3A_93 = vector.extract %reduce_sum3A_92[0, 0, 0] : f32 from vector<1x1x1xf32>
    %slice3A_94 = vector.extract_strided_slice %get3A_1 {offsets = [1152, 0], sizes = [384, 64], strides = [1, 1]} : vector<3072x64xf32> to vector<384x64xf32>
    %dot_general3A_95 = arith.constant dense<0.000000e+00> : vector<384x1024xf32>
    %dot_general3A_96 = tpu.matmul %slice3A_94, %get3A_6, %dot_general3A_95 {dimension_numbers = #tpu.dot_dimension_numbers<[1], [1], [0], [0], [0, 0, 1, 0], [], []>, transpose_lhs_hint = false} : vector<384x64xf32>, vector<1024x64xf32>, vector<384x1024xf32> -> vector<384x1024xf32>
    %mul3A_97 = arith.mulf %slice3A_94, %slice3A_94 : vector<384x64xf32>
    %reduce_sum3A_98 = arith.constant dense<0.000000e+00> : vector<384xf32>
    %reduce_sum3A_99 = vector.multi_reduction <add>, %mul3A_97, %reduce_sum3A_98 [1] : vector<384x64xf32> to vector<384xf32>
    %broadcast_in_dim3A_100 = vector.shape_cast %reduce_sum3A_99 : vector<384xf32> to vector<384x1xf32>
    %add3A_101 = vector.broadcast %broadcast_in_dim3A_100 : vector<384x1xf32> to vector<384x1024xf32>
    %add3A_102 = vector.broadcast %get3A_9 : vector<1x1024xf32> to vector<384x1024xf32>
    %add3A_103 = arith.addf %add3A_101, %add3A_102 : vector<384x1024xf32>
    %add3A_104 = arith.addf %add3A_103, %dot_general3A_96 : vector<384x1024xf32>
    %reduce_min3A_105 = arith.constant dense<0x7F800000> : vector<384xf32>
    %reduce_min3A_106 = vector.multi_reduction <minimumf>, %add3A_104, %reduce_min3A_105 [1] : vector<384x1024xf32> to vector<384xf32>
    %broadcast_in_dim3A_107 = vector.shape_cast %reduce_min3A_106 : vector<384xf32> to vector<384x1xf32>
    %eq3A_108 = vector.broadcast %broadcast_in_dim3A_107 : vector<384x1xf32> to vector<384x1024xf32>
    %eq3A_109 = arith.cmpf oeq, %add3A_104, %eq3A_108 : vector<384x1024xf32>
    %jit3A_110 = arith.constant 1.024000e+03 : f32
    %broadcast_in_dim3A_111 = vector.shape_cast %get3A_12 : vector<1x1024xf32> to vector<1x1024xf32>
    %broadcast_in_dim3A_112 = vector.broadcast %broadcast_in_dim3A_111 : vector<1x1024xf32> to vector<384x1024xf32>
    %broadcast_in_dim3A_113 = vector.broadcast %jit3A_110 : f32 to vector<384x1024xf32>
    %select_n3A_114 = arith.select %eq3A_109, %broadcast_in_dim3A_112, %broadcast_in_dim3A_113 : vector<384x1024xi1>, vector<384x1024xf32>
    %reduce_min3A_115 = arith.constant dense<0x7F800000> : vector<384xf32>
    %reduce_min3A_116 = vector.multi_reduction <minimumf>, %select_n3A_114, %reduce_min3A_115 [1] : vector<384x1024xf32> to vector<384xf32>
    %broadcast_in_dim3A_117 = vector.shape_cast %reduce_min3A_116 : vector<384xf32> to vector<384x1xf32>
    %convert_element_type3A_118 = arith.fptosi %broadcast_in_dim3A_117 : vector<384x1xf32> to vector<384x1xi32>
    %reduce_sum3A_119 = vector.shape_cast %broadcast_in_dim3A_107 : vector<384x1xf32> to vector<1x384x1xf32>
    %reduce_sum3A_120 = arith.constant dense<0.000000e+00> : vector<1xf32>
    %reduce_sum3A_121 = vector.multi_reduction <add>, %reduce_sum3A_119, %reduce_sum3A_120 [1, 2] : vector<1x384x1xf32> to vector<1xf32>
    %reduce_sum3A_122 = vector.shape_cast %reduce_sum3A_121 : vector<1xf32> to vector<1x1x1xf32>
    %reduce_sum3A_123 = vector.extract %reduce_sum3A_122[0, 0, 0] : f32 from vector<1x1x1xf32>
    %slice3A_124 = vector.extract_strided_slice %get3A_1 {offsets = [1536, 0], sizes = [384, 64], strides = [1, 1]} : vector<3072x64xf32> to vector<384x64xf32>
    %dot_general3A_125 = arith.constant dense<0.000000e+00> : vector<384x1024xf32>
    %dot_general3A_126 = tpu.matmul %slice3A_124, %get3A_6, %dot_general3A_125 {dimension_numbers = #tpu.dot_dimension_numbers<[1], [1], [0], [0], [0, 0, 1, 0], [], []>, transpose_lhs_hint = false} : vector<384x64xf32>, vector<1024x64xf32>, vector<384x1024xf32> -> vector<384x1024xf32>
    %mul3A_127 = arith.mulf %slice3A_124, %slice3A_124 : vector<384x64xf32>
    %reduce_sum3A_128 = arith.constant dense<0.000000e+00> : vector<384xf32>
    %reduce_sum3A_129 = vector.multi_reduction <add>, %mul3A_127, %reduce_sum3A_128 [1] : vector<384x64xf32> to vector<384xf32>
    %broadcast_in_dim3A_130 = vector.shape_cast %reduce_sum3A_129 : vector<384xf32> to vector<384x1xf32>
    %add3A_131 = vector.broadcast %broadcast_in_dim3A_130 : vector<384x1xf32> to vector<384x1024xf32>
    %add3A_132 = vector.broadcast %get3A_9 : vector<1x1024xf32> to vector<384x1024xf32>
    %add3A_133 = arith.addf %add3A_131, %add3A_132 : vector<384x1024xf32>
    %add3A_134 = arith.addf %add3A_133, %dot_general3A_126 : vector<384x1024xf32>
    %reduce_min3A_135 = arith.constant dense<0x7F800000> : vector<384xf32>
    %reduce_min3A_136 = vector.multi_reduction <minimumf>, %add3A_134, %reduce_min3A_135 [1] : vector<384x1024xf32> to vector<384xf32>
    %broadcast_in_dim3A_137 = vector.shape_cast %reduce_min3A_136 : vector<384xf32> to vector<384x1xf32>
    %eq3A_138 = vector.broadcast %broadcast_in_dim3A_137 : vector<384x1xf32> to vector<384x1024xf32>
    %eq3A_139 = arith.cmpf oeq, %add3A_134, %eq3A_138 : vector<384x1024xf32>
    %jit3A_140 = arith.constant 1.024000e+03 : f32
    %broadcast_in_dim3A_141 = vector.shape_cast %get3A_12 : vector<1x1024xf32> to vector<1x1024xf32>
    %broadcast_in_dim3A_142 = vector.broadcast %broadcast_in_dim3A_141 : vector<1x1024xf32> to vector<384x1024xf32>
    %broadcast_in_dim3A_143 = vector.broadcast %jit3A_140 : f32 to vector<384x1024xf32>
    %select_n3A_144 = arith.select %eq3A_139, %broadcast_in_dim3A_142, %broadcast_in_dim3A_143 : vector<384x1024xi1>, vector<384x1024xf32>
    %reduce_min3A_145 = arith.constant dense<0x7F800000> : vector<384xf32>
    %reduce_min3A_146 = vector.multi_reduction <minimumf>, %select_n3A_144, %reduce_min3A_145 [1] : vector<384x1024xf32> to vector<384xf32>
    %broadcast_in_dim3A_147 = vector.shape_cast %reduce_min3A_146 : vector<384xf32> to vector<384x1xf32>
    %convert_element_type3A_148 = arith.fptosi %broadcast_in_dim3A_147 : vector<384x1xf32> to vector<384x1xi32>
    %reduce_sum3A_149 = vector.shape_cast %broadcast_in_dim3A_137 : vector<384x1xf32> to vector<1x384x1xf32>
    %reduce_sum3A_150 = arith.constant dense<0.000000e+00> : vector<1xf32>
    %reduce_sum3A_151 = vector.multi_reduction <add>, %reduce_sum3A_149, %reduce_sum3A_150 [1, 2] : vector<1x384x1xf32> to vector<1xf32>
    %reduce_sum3A_152 = vector.shape_cast %reduce_sum3A_151 : vector<1xf32> to vector<1x1x1xf32>
    %reduce_sum3A_153 = vector.extract %reduce_sum3A_152[0, 0, 0] : f32 from vector<1x1x1xf32>
    %slice3A_154 = vector.extract_strided_slice %get3A_1 {offsets = [1920, 0], sizes = [384, 64], strides = [1, 1]} : vector<3072x64xf32> to vector<384x64xf32>
    %dot_general3A_155 = arith.constant dense<0.000000e+00> : vector<384x1024xf32>
    %dot_general3A_156 = tpu.matmul %slice3A_154, %get3A_6, %dot_general3A_155 {dimension_numbers = #tpu.dot_dimension_numbers<[1], [1], [0], [0], [0, 0, 1, 0], [], []>, transpose_lhs_hint = false} : vector<384x64xf32>, vector<1024x64xf32>, vector<384x1024xf32> -> vector<384x1024xf32>
    %mul3A_157 = arith.mulf %slice3A_154, %slice3A_154 : vector<384x64xf32>
    %reduce_sum3A_158 = arith.constant dense<0.000000e+00> : vector<384xf32>
    %reduce_sum3A_159 = vector.multi_reduction <add>, %mul3A_157, %reduce_sum3A_158 [1] : vector<384x64xf32> to vector<384xf32>
    %broadcast_in_dim3A_160 = vector.shape_cast %reduce_sum3A_159 : vector<384xf32> to vector<384x1xf32>
    %add3A_161 = vector.broadcast %broadcast_in_dim3A_160 : vector<384x1xf32> to vector<384x1024xf32>
    %add3A_162 = vector.broadcast %get3A_9 : vector<1x1024xf32> to vector<384x1024xf32>
    %add3A_163 = arith.addf %add3A_161, %add3A_162 : vector<384x1024xf32>
    %add3A_164 = arith.addf %add3A_163, %dot_general3A_156 : vector<384x1024xf32>
    %reduce_min3A_165 = arith.constant dense<0x7F800000> : vector<384xf32>
    %reduce_min3A_166 = vector.multi_reduction <minimumf>, %add3A_164, %reduce_min3A_165 [1] : vector<384x1024xf32> to vector<384xf32>
    %broadcast_in_dim3A_167 = vector.shape_cast %reduce_min3A_166 : vector<384xf32> to vector<384x1xf32>
    %eq3A_168 = vector.broadcast %broadcast_in_dim3A_167 : vector<384x1xf32> to vector<384x1024xf32>
    %eq3A_169 = arith.cmpf oeq, %add3A_164, %eq3A_168 : vector<384x1024xf32>
    %jit3A_170 = arith.constant 1.024000e+03 : f32
    %broadcast_in_dim3A_171 = vector.shape_cast %get3A_12 : vector<1x1024xf32> to vector<1x1024xf32>
    %broadcast_in_dim3A_172 = vector.broadcast %broadcast_in_dim3A_171 : vector<1x1024xf32> to vector<384x1024xf32>
    %broadcast_in_dim3A_173 = vector.broadcast %jit3A_170 : f32 to vector<384x1024xf32>
    %select_n3A_174 = arith.select %eq3A_169, %broadcast_in_dim3A_172, %broadcast_in_dim3A_173 : vector<384x1024xi1>, vector<384x1024xf32>
    %reduce_min3A_175 = arith.constant dense<0x7F800000> : vector<384xf32>
    %reduce_min3A_176 = vector.multi_reduction <minimumf>, %select_n3A_174, %reduce_min3A_175 [1] : vector<384x1024xf32> to vector<384xf32>
    %broadcast_in_dim3A_177 = vector.shape_cast %reduce_min3A_176 : vector<384xf32> to vector<384x1xf32>
    %convert_element_type3A_178 = arith.fptosi %broadcast_in_dim3A_177 : vector<384x1xf32> to vector<384x1xi32>
    %reduce_sum3A_179 = vector.shape_cast %broadcast_in_dim3A_167 : vector<384x1xf32> to vector<1x384x1xf32>
    %reduce_sum3A_180 = arith.constant dense<0.000000e+00> : vector<1xf32>
    %reduce_sum3A_181 = vector.multi_reduction <add>, %reduce_sum3A_179, %reduce_sum3A_180 [1, 2] : vector<1x384x1xf32> to vector<1xf32>
    %reduce_sum3A_182 = vector.shape_cast %reduce_sum3A_181 : vector<1xf32> to vector<1x1x1xf32>
    %reduce_sum3A_183 = vector.extract %reduce_sum3A_182[0, 0, 0] : f32 from vector<1x1x1xf32>
    %slice3A_184 = vector.extract_strided_slice %get3A_1 {offsets = [2304, 0], sizes = [384, 64], strides = [1, 1]} : vector<3072x64xf32> to vector<384x64xf32>
    %dot_general3A_185 = arith.constant dense<0.000000e+00> : vector<384x1024xf32>
    %dot_general3A_186 = tpu.matmul %slice3A_184, %get3A_6, %dot_general3A_185 {dimension_numbers = #tpu.dot_dimension_numbers<[1], [1], [0], [0], [0, 0, 1, 0], [], []>, transpose_lhs_hint = false} : vector<384x64xf32>, vector<1024x64xf32>, vector<384x1024xf32> -> vector<384x1024xf32>
    %mul3A_187 = arith.mulf %slice3A_184, %slice3A_184 : vector<384x64xf32>
    %reduce_sum3A_188 = arith.constant dense<0.000000e+00> : vector<384xf32>
    %reduce_sum3A_189 = vector.multi_reduction <add>, %mul3A_187, %reduce_sum3A_188 [1] : vector<384x64xf32> to vector<384xf32>
    %broadcast_in_dim3A_190 = vector.shape_cast %reduce_sum3A_189 : vector<384xf32> to vector<384x1xf32>
    %add3A_191 = vector.broadcast %broadcast_in_dim3A_190 : vector<384x1xf32> to vector<384x1024xf32>
    %add3A_192 = vector.broadcast %get3A_9 : vector<1x1024xf32> to vector<384x1024xf32>
    %add3A_193 = arith.addf %add3A_191, %add3A_192 : vector<384x1024xf32>
    %add3A_194 = arith.addf %add3A_193, %dot_general3A_186 : vector<384x1024xf32>
    %reduce_min3A_195 = arith.constant dense<0x7F800000> : vector<384xf32>
    %reduce_min3A_196 = vector.multi_reduction <minimumf>, %add3A_194, %reduce_min3A_195 [1] : vector<384x1024xf32> to vector<384xf32>
    %broadcast_in_dim3A_197 = vector.shape_cast %reduce_min3A_196 : vector<384xf32> to vector<384x1xf32>
    %eq3A_198 = vector.broadcast %broadcast_in_dim3A_197 : vector<384x1xf32> to vector<384x1024xf32>
    %eq3A_199 = arith.cmpf oeq, %add3A_194, %eq3A_198 : vector<384x1024xf32>
    %jit3A_200 = arith.constant 1.024000e+03 : f32
    %broadcast_in_dim3A_201 = vector.shape_cast %get3A_12 : vector<1x1024xf32> to vector<1x1024xf32>
    %broadcast_in_dim3A_202 = vector.broadcast %broadcast_in_dim3A_201 : vector<1x1024xf32> to vector<384x1024xf32>
    %broadcast_in_dim3A_203 = vector.broadcast %jit3A_200 : f32 to vector<384x1024xf32>
    %select_n3A_204 = arith.select %eq3A_199, %broadcast_in_dim3A_202, %broadcast_in_dim3A_203 : vector<384x1024xi1>, vector<384x1024xf32>
    %reduce_min3A_205 = arith.constant dense<0x7F800000> : vector<384xf32>
    %reduce_min3A_206 = vector.multi_reduction <minimumf>, %select_n3A_204, %reduce_min3A_205 [1] : vector<384x1024xf32> to vector<384xf32>
    %broadcast_in_dim3A_207 = vector.shape_cast %reduce_min3A_206 : vector<384xf32> to vector<384x1xf32>
    %convert_element_type3A_208 = arith.fptosi %broadcast_in_dim3A_207 : vector<384x1xf32> to vector<384x1xi32>
    %reduce_sum3A_209 = vector.shape_cast %broadcast_in_dim3A_197 : vector<384x1xf32> to vector<1x384x1xf32>
    %reduce_sum3A_210 = arith.constant dense<0.000000e+00> : vector<1xf32>
    %reduce_sum3A_211 = vector.multi_reduction <add>, %reduce_sum3A_209, %reduce_sum3A_210 [1, 2] : vector<1x384x1xf32> to vector<1xf32>
    %reduce_sum3A_212 = vector.shape_cast %reduce_sum3A_211 : vector<1xf32> to vector<1x1x1xf32>
    %reduce_sum3A_213 = vector.extract %reduce_sum3A_212[0, 0, 0] : f32 from vector<1x1x1xf32>
    %slice3A_214 = vector.extract_strided_slice %get3A_1 {offsets = [2688, 0], sizes = [384, 64], strides = [1, 1]} : vector<3072x64xf32> to vector<384x64xf32>
    %dot_general3A_215 = arith.constant dense<0.000000e+00> : vector<384x1024xf32>
    %dot_general3A_216 = tpu.matmul %slice3A_214, %get3A_6, %dot_general3A_215 {dimension_numbers = #tpu.dot_dimension_numbers<[1], [1], [0], [0], [0, 0, 1, 0], [], []>, transpose_lhs_hint = false} : vector<384x64xf32>, vector<1024x64xf32>, vector<384x1024xf32> -> vector<384x1024xf32>
    %mul3A_217 = arith.mulf %slice3A_214, %slice3A_214 : vector<384x64xf32>
    %reduce_sum3A_218 = arith.constant dense<0.000000e+00> : vector<384xf32>
    %reduce_sum3A_219 = vector.multi_reduction <add>, %mul3A_217, %reduce_sum3A_218 [1] : vector<384x64xf32> to vector<384xf32>
    %broadcast_in_dim3A_220 = vector.shape_cast %reduce_sum3A_219 : vector<384xf32> to vector<384x1xf32>
    %add3A_221 = vector.broadcast %broadcast_in_dim3A_220 : vector<384x1xf32> to vector<384x1024xf32>
    %add3A_222 = vector.broadcast %get3A_9 : vector<1x1024xf32> to vector<384x1024xf32>
    %add3A_223 = arith.addf %add3A_221, %add3A_222 : vector<384x1024xf32>
    %add3A_224 = arith.addf %add3A_223, %dot_general3A_216 : vector<384x1024xf32>
    %reduce_min3A_225 = arith.constant dense<0x7F800000> : vector<384xf32>
    %reduce_min3A_226 = vector.multi_reduction <minimumf>, %add3A_224, %reduce_min3A_225 [1] : vector<384x1024xf32> to vector<384xf32>
    %broadcast_in_dim3A_227 = vector.shape_cast %reduce_min3A_226 : vector<384xf32> to vector<384x1xf32>
    %eq3A_228 = vector.broadcast %broadcast_in_dim3A_227 : vector<384x1xf32> to vector<384x1024xf32>
    %eq3A_229 = arith.cmpf oeq, %add3A_224, %eq3A_228 : vector<384x1024xf32>
    %jit3A_230 = arith.constant 1.024000e+03 : f32
    %broadcast_in_dim3A_231 = vector.shape_cast %get3A_12 : vector<1x1024xf32> to vector<1x1024xf32>
    %broadcast_in_dim3A_232 = vector.broadcast %broadcast_in_dim3A_231 : vector<1x1024xf32> to vector<384x1024xf32>
    %broadcast_in_dim3A_233 = vector.broadcast %jit3A_230 : f32 to vector<384x1024xf32>
    %select_n3A_234 = arith.select %eq3A_229, %broadcast_in_dim3A_232, %broadcast_in_dim3A_233 : vector<384x1024xi1>, vector<384x1024xf32>
    %reduce_min3A_235 = arith.constant dense<0x7F800000> : vector<384xf32>
    %reduce_min3A_236 = vector.multi_reduction <minimumf>, %select_n3A_234, %reduce_min3A_235 [1] : vector<384x1024xf32> to vector<384xf32>
    %broadcast_in_dim3A_237 = vector.shape_cast %reduce_min3A_236 : vector<384xf32> to vector<384x1xf32>
    %convert_element_type3A_238 = arith.fptosi %broadcast_in_dim3A_237 : vector<384x1xf32> to vector<384x1xi32>
    %reduce_sum3A_239 = vector.shape_cast %broadcast_in_dim3A_227 : vector<384x1xf32> to vector<1x384x1xf32>
    %reduce_sum3A_240 = arith.constant dense<0.000000e+00> : vector<1xf32>
    %reduce_sum3A_241 = vector.multi_reduction <add>, %reduce_sum3A_239, %reduce_sum3A_240 [1, 2] : vector<1x384x1xf32> to vector<1xf32>
    %reduce_sum3A_242 = vector.shape_cast %reduce_sum3A_241 : vector<1xf32> to vector<1x1x1xf32>
    %reduce_sum3A_243 = vector.extract %reduce_sum3A_242[0, 0, 0] : f32 from vector<1x1x1xf32>
    %swap3A = arith.constant 0 : index
    %swap3A_244 = arith.constant 0 : index
    %swap3A_245 = vector.load %arg3[%swap3A, %swap3A_244] : memref<3072x1xi32, #tpu.memory_space<vmem>>, vector<384x1xi32>
    tpu.vector_store %arg3[%swap3A, %swap3A_244], %convert_element_type3A_28 {strides = array<i32>} : memref<3072x1xi32, #tpu.memory_space<vmem>>, vector<384x1xi32>,
    %swap3A_246 = arith.constant 384 : index
    %swap3A_247 = arith.constant 0 : index
    %swap3A_248 = vector.load %arg3[%swap3A_246, %swap3A_247] : memref<3072x1xi32, #tpu.memory_space<vmem>>, vector<384x1xi32>
    tpu.vector_store %arg3[%swap3A_246, %swap3A_247], %convert_element_type3A_58 {strides = array<i32>} : memref<3072x1xi32, #tpu.memory_space<vmem>>, vector<384x1xi32>,
    %swap3A_249 = arith.constant 768 : index
    %swap3A_250 = arith.constant 0 : index
    %swap3A_251 = vector.load %arg3[%swap3A_249, %swap3A_250] : memref<3072x1xi32, #tpu.memory_space<vmem>>, vector<384x1xi32>
    tpu.vector_store %arg3[%swap3A_249, %swap3A_250], %convert_element_type3A_88 {strides = array<i32>} : memref<3072x1xi32, #tpu.memory_space<vmem>>, vector<384x1xi32>,
    %swap3A_252 = arith.constant 1152 : index
    %swap3A_253 = arith.constant 0 : index
    %swap3A_254 = vector.load %arg3[%swap3A_252, %swap3A_253] : memref<3072x1xi32, #tpu.memory_space<vmem>>, vector<384x1xi32>
    tpu.vector_store %arg3[%swap3A_252, %swap3A_253], %convert_element_type3A_118 {strides = array<i32>} : memref<3072x1xi32, #tpu.memory_space<vmem>>, vector<384x1xi32>,
    %swap3A_255 = arith.constant 1536 : index
    %swap3A_256 = arith.constant 0 : index
    %swap3A_257 = vector.load %arg3[%swap3A_255, %swap3A_256] : memref<3072x1xi32, #tpu.memory_space<vmem>>, vector<384x1xi32>
    tpu.vector_store %arg3[%swap3A_255, %swap3A_256], %convert_element_type3A_148 {strides = array<i32>} : memref<3072x1xi32, #tpu.memory_space<vmem>>, vector<384x1xi32>,
    %swap3A_258 = arith.constant 1920 : index
    %swap3A_259 = arith.constant 0 : index
    %swap3A_260 = vector.load %arg3[%swap3A_258, %swap3A_259] : memref<3072x1xi32, #tpu.memory_space<vmem>>, vector<384x1xi32>
    tpu.vector_store %arg3[%swap3A_258, %swap3A_259], %convert_element_type3A_178 {strides = array<i32>} : memref<3072x1xi32, #tpu.memory_space<vmem>>, vector<384x1xi32>,
    %swap3A_261 = arith.constant 2304 : index
    %swap3A_262 = arith.constant 0 : index
    %swap3A_263 = vector.load %arg3[%swap3A_261, %swap3A_262] : memref<3072x1xi32, #tpu.memory_space<vmem>>, vector<384x1xi32>
    tpu.vector_store %arg3[%swap3A_261, %swap3A_262], %convert_element_type3A_208 {strides = array<i32>} : memref<3072x1xi32, #tpu.memory_space<vmem>>, vector<384x1xi32>,
    %swap3A_264 = arith.constant 2688 : index
    %swap3A_265 = arith.constant 0 : index
    %swap3A_266 = vector.load %arg3[%swap3A_264, %swap3A_265] : memref<3072x1xi32, #tpu.memory_space<vmem>>, vector<384x1xi32>
    tpu.vector_store %arg3[%swap3A_264, %swap3A_265], %convert_element_type3A_238 {strides = array<i32>} : memref<3072x1xi32, #tpu.memory_space<vmem>>, vector<384x1xi32>,
    %get3A_267 = arith.constant 0 : index
    %get3A_268 = arith.constant 0 : index
    %get3A_269 = memref.load %arg4[%get3A_267, %get3A_268] : memref<1x1xf32, #tpu.memory_space<smem>>
    %add3A_270 = arith.constant 0.000000e+00 : f32
    %add3A_271 = arith.addf %add3A_270, %reduce_sum3A_33 : f32
    %add3A_272 = arith.addf %add3A_271, %reduce_sum3A_63 : f32
    %add3A_273 = arith.addf %add3A_272, %reduce_sum3A_93 : f32
    %add3A_274 = arith.addf %add3A_273, %reduce_sum3A_123 : f32
    %add3A_275 = arith.addf %add3A_274, %reduce_sum3A_153 : f32
    %add3A_276 = arith.addf %add3A_275, %reduce_sum3A_183 : f32
    %add3A_277 = arith.addf %add3A_276, %reduce_sum3A_213 : f32
    %add3A_278 = arith.addf %add3A_277, %reduce_sum3A_243 : f32
    %add3A_279 = arith.addf %get3A_269, %add3A_278 : f32
    %swap3A_280 = arith.constant 0 : index
    %swap3A_281 = arith.constant 0 : index
    %swap3A_282 = memref.load %arg4[%swap3A_280, %swap3A_281] : memref<1x1xf32, #tpu.memory_space<smem>>
    memref.store %add3A_279, %arg4[%swap3A_280, %swap3A_281] : memref<1x1xf32, #tpu.memory_space<smem>>
    return
  }
  func.func @transform_0(%arg0: i32) -> (i32, i32) {
    %c0_i32 = arith.constant 0 : i32
    %c0_i32_0 = arith.constant 0 : i32
    return %arg0, %c0_i32 : i32, i32
  }
  func.func @transform_1(%arg0: i32) -> (i32, i32) {
    %c0_i32 = arith.constant 0 : i32
    %c0_i32_0 = arith.constant 0 : i32
    %c0_i32_1 = arith.constant 0 : i32
    return %c0_i32, %c0_i32_0 : i32, i32
  }
  func.func @transform_2(%arg0: i32) -> (i32, i32) {
    %c0_i32 = arith.constant 0 : i32
    %c0_i32_0 = arith.constant 0 : i32
    return %arg0, %c0_i32 : i32, i32
  }
  func.func @transform_3(%arg0: i32) -> (i32, i32) {
    %c0_i32 = arith.constant 0 : i32
    %c0_i32_0 = arith.constant 0 : i32
    %c0_i32_1 = arith.constant 0 : i32
    return %c0_i32, %c0_i32_0 : i32, i32
  }
}

</mosaic_0001>

<sc_bundles>
// kernel: kernel.4.cloned.1.call-start
scs
__scs_entry_jumppad:
0x0: {  	(pc) =	sbr.rel $0x88, $3  }
0x1: {  	(tag) =	ssettag $0x0;
	lr =	simm.s32 $0x1  }
0x2: {  	[smem:$0x3F9F] =	sst lr;
	_ =	strace $0xD0000000  }
0x3: {  	_ = 	snop  }
0x4: {  	_ = 	snop  }
0x5: {  	_ = 	snop  }
0x6: {  	_ = 	snop  }
0x7: {  	_ = 	snop  }
__scs_overlays_trampoline_lowered:
0x8: {  	[smem:$0x3FAE] =	sst s0  }
0x9: {  	[smem:$0x3FAF] =	sst s1  }
0xa: {  	[smem:$0x3FB0] =	sst s2  }
0xb: {  	[smem:$0x3FB1] =	sst s3  }
0xc: {  	[smem:$0x3FB2] =	sst s4  }
0xd: {  	[smem:$0x3FB3] =	sst s5  }
0xe: {  	[smem:$0x3FB4] =	sst s6  }
0xf: {  	[smem:$0x3FB5] =	sst s7  }
0x10: {  	[smem:$0x3FB6] =	sst s8  }
0x11: {  	[smem:$0x3FB7] =	sst s9;
	s0 =	simm.s32 @!p0 $0x0  }
0x12: {  	s1 =	sld [smem:$0x3F9D];
	s0 =	simm.s32 @p0 $0x1  }
0x13: {  	[smem:$0x3FB8] =	sst s0;
	s0 =	simm.s32 @!p1 $0x0  }
0x14: {  	s2 =	sld [smem:$0x3F9C];
	s0 =	simm.s32 @p1 $0x1  }
0x15: {  	[smem:$0x3FB9] =	sst s0;
	s0 =	simm.s32 @!p2 $0x0  }
0x16: {  	s3 =	sld [smem:$0x3FDB];
	s0 =	simm.s32 @p2 $0x1  }
0x17: {  	s4 =	simm.s32 $0x1BF5;
	[smem:$0x3FBB] =	sst s0  }
0x18: {  	s0 =	sld [smem:$0x3F9E];
	_ =	swait.ge [sflag:s4], $0x0  }
0x19: {  	s7 =	sld [smem:$0x3F9F]  }
0x1a: {  	s8 =	sadd.s32 $0xFFFFE003, lr  }
0x1b: {  	s9 =	sadd.s32 $0xFFFFFEF7, lr;
	s5 =	simm.s32 $0xFFFFFFFF;
	p2 =	slt.u32 s8, $0xFFFFF086  }
0x1c: {  	p1 =	slt.u32 s9, $0xF7A;
	s5 =	simm.s32 @!p2 $0x0  }
0x1d: {  	s5 =	simm.s32 @p1 $0x1;
	p0 =	seq.s32 s7, s2  }
0x1e: {  	s7 =	smul.u32 @!p0 $0xF7A, s2;
	p2 =	seq.s32 @!p0 s5, $0x0  }
0x1f: {  	s9 =	smul.u32 $0xF7A, s1;
	s8 =	simm.s32 @!p0 $0x1BF5;
	p2 =	por !p2, p0  }
0x20: {  	[sflag:s8] =	ssyncset.s32 @!p0 $0xFFFFF086;
	s6 =	sadd.s32 @!p0 s3, s7;
	s7 =	simm.s32 @!p0 $0x108  }
0x21: {  	s3 =	sadd.s32 s3, s9;
	s6 =	sadd.s32 @!p0 $0x88, s6;
	s7 =	simm.s32 @p2 $0x1082  }
0x22: {  	[simem:s7], [sflag:s8] =	dma.local @!p0 [hbm:s6], $0xF7A  }
0x23: {  	s9 =	sor.u32 $0xD0000000, s2;
	s6 =	simm.s32 $0x108;
	_ =	swait.ge @!p0 [sflag:s8], $0x0  }
0x24: {  	s3 =	sadd.s32 $0x88, s3;
	s6 =	simm.s32 @!p1 $0x1082;
	[sflag:s4] =	ssyncset.s32 $0xFFFFF086  }
0x25: {  	[simem:s6], [sflag:s4] =	dma.local [hbm:s3], $0xF7A  }
0x26: {  	[smem:$0x3F9F] =	sst s1;
	(tag) =	ssettag s2;
	_ =	strace s9  }
0x27: {  	s1 =	sld [smem:$0x3FAF]  }
0x28: {  	s2 =	sld [smem:$0x3FB0]  }
0x29: {  	s4 =	sld [smem:$0x3FB2]  }
0x2a: {  	p0 =	seq.s32 s5, $0x0;
	s5 =	sld [smem:$0x3FB3]  }
0x2b: {  	s6 =	sld [smem:$0x3FB4]  }
0x2c: {  	s7 =	sld [smem:$0x3FB5]  }
0x2d: {  	s3 =	simm.s32 $0x108;
	s8 =	sld [smem:$0x3FB6]  }
0x2e: {  	s3 =	simm.s32 @!p0 $0x1082;
	s9 =	sld [smem:$0x3FB7]  }
0x2f: {  	lr =	sadd.s32 s0, s3;
	s0 =	sld [smem:$0x3FAE]  }
0x30: {  	s3 =	sld [smem:$0x3FB1]  }
0x31: {  	[smem:$0x3FBA] =	sst s10  }
0x32: {  	s10 =	sld [smem:$0x3FB8];
	_ =	sdelay $0x3  }
0x33: {  	p0 =	seq.s32 s10, $0x1;
	s10 =	sld [smem:$0x3FBA];
	_ =	sdelay $0x3  }
0x34: {  	[smem:$0x3FBA] =	sst s10  }
0x35: {  	s10 =	sld [smem:$0x3FB9];
	_ =	sdelay $0x3  }
0x36: {  	p1 =	seq.s32 s10, $0x1;
	s10 =	sld [smem:$0x3FBA];
	_ =	sdelay $0x3  }
0x37: {  	[smem:$0x3FBA] =	sst s10  }
0x38: {  	s10 =	sld [smem:$0x3FBB]  }
0x39: {  	_ = 	snop;
	(pc) =	sbr.ind lr, $3  }
0x3a: {  	_ = 	snop  }
0x3b: {  	_ = 	snop  }
0x3c: {  	p2 =	seq.s32 s10, $0x1;
	s10 =	sld [smem:$0x3FBA]  }
0x3d: {  	_ =	shalt  }
0x3e: {  	_ =	shalt  }
0x3f: {  	_ =	shalt  }
0x40: {  	_ =	shalt  }
0x41: {  	_ =	shalt  }
0x42: {  	_ =	shalt  }
0x43: {  	_ =	shalt  }
0x44: {  	_ =	shalt  }
0x45: {  	_ =	shalt  }
0x46: {  	_ =	shalt  }
0x47: {  	_ =	shalt  }
0x48: {  	_ =	shalt  }
0x49: {  	_ =	shalt  }
0x4a: {  	_ =	shalt  }
0x4b: {  	_ =	shalt  }
0x4c: {  	_ =	shalt  }
0x4d: {  	_ =	shalt  }
0x4e: {  	_ =	shalt  }
0x4f: {  	_ =	shalt  }
0x50: {  	_ =	shalt  }
0x51: {  	_ =	shalt  }
0x52: {  	_ =	shalt  }
0x53: {  	_ =	shalt  }
0x54: {  	_ =	shalt  }
0x55: {  	_ =	shalt  }
0x56: {  	_ =	shalt  }
0x57: {  	_ =	shalt  }
0x58: {  	_ =	shalt  }
0x59: {  	_ =	shalt  }
0x5a: {  	_ =	shalt  }
0x5b: {  	_ =	shalt  }
0x5c: {  	_ =	shalt  }
0x5d: {  	_ =	shalt  }
0x5e: {  	_ =	shalt  }
0x5f: {  	_ =	shalt  }
0x60: {  	_ =	shalt  }
0x61: {  	_ =	shalt  }
0x62: {  	_ =	shalt  }
0x63: {  	_ =	shalt  }
0x64: {  	_ =	shalt  }
0x65: {  	_ =	shalt  }
0x66: {  	_ =	shalt  }
0x67: {  	_ =	shalt  }
0x68: {  	_ =	shalt  }
0x69: {  	_ =	shalt  }
0x6a: {  	_ =	shalt  }
0x6b: {  	_ =	shalt  }
0x6c: {  	_ =	shalt  }
0x6d: {  	_ =	shalt  }
0x6e: {  	_ =	shalt  }
0x6f: {  	_ =	shalt  }
0x70: {  	_ =	shalt  }
0x71: {  	_ =	shalt  }
0x72: {  	_ =	shalt  }
0x73: {  	_ =	shalt  }
0x74: {  	_ =	shalt  }
0x75: {  	_ =	shalt  }
0x76: {  	_ =	shalt  }
0x77: {  	_ =	shalt  }
0x78: {  	_ =	shalt  }
0x79: {  	_ =	shalt  }
0x7a: {  	_ =	shalt  }
0x7b: {  	_ =	shalt  }
0x7c: {  	_ =	shalt  }
0x7d: {  	_ =	shalt  }
0x7e: {  	_ =	shalt  }
0x7f: {  	_ =	shalt  }
0x80: {  	_ =	shalt  }
0x81: {  	_ =	shalt  }
0x82: {  	_ =	shalt  }
0x83: {  	_ =	shalt  }
0x84: {  	_ =	shalt  }
0x85: {  	_ =	shalt  }
0x86: {  	_ =	shalt  }
0x87: {  	_ =	shalt  }
.Lfunc_end0:
.L_simem_size_0:
called_computation_lowered:
.L_overlay_start_0:
0x88: {  	s2 =	sld [smem:$0x3FD9]  }
0x89: {  	s3 =	sld [smem:$0x3FFE];
	_ =	sdelay $0x1  }
0x8a: {  	s1 =	srdreg.scid  }
0x8b: {  	s0 =	sand.u32 $0x1, s1  }
0x8c: {  	s14 =	sshll.u32 s0, $0xA;
	s2 =	sadd.s32 s3, s2  }
0x8d: {  	s2 =	sadd.s32 s2, s14  }
0x8e: {  	[smem:$0x3FC6] =	sst s2  }
0x8f: {  	_ = 	snop  }
0x90: {  	s2 =	sld [smem:$0x3FD0];
	_ =	sdelay $0x2  }
0x91: {  	s15 =	simm.s32 $0xA;
	s4 =	simm.s32 $0x10  }
0x92: {  	[smem:s4], [sflag:s15] =	dma.local [hbm:s2], $0x1  }
0x93: {  	_ =	swait.eq [sflag:s15], $0x1  }
0x94: {  	[sflag:s15] =	ssyncset.done $0x0  }
0x95: {  	[sflag:s15] =	ssyncadd.s32 $0xFFFFFFFF  }
0x96: {  	s16 =	sld [smem:$0x10];
	(tm) =	ssettm $0x1  }
0x97: {  	s17 =	sld [smem:$0x3FFB];
	_ =	sdelay $0x3  }
0x98: {  	_ =	strace s17  }
0x99: {  	s3 =	sld [smem:$0x3FFC];
	_ =	sdelay $0x3  }
0x9a: {  	_ =	strace s3  }
0x9b: {  	s3 =	sld [smem:$0x3FFD];
	_ =	sdelay $0x3  }
0x9c: {  	_ =	strace s3  }
0x9d: {  	_ =	strace $0x8FFFFFFF  }
0x9e: {  	s18 =	sld [smem:$0x3FDB];
	_ =	sdelay $0x1  }
0x9f: {  	s19 =	simm.s32 $_scs_section_size  }
0xa0: {  	s5 =	simm.s32 $_size__tile_overlayer_lowered;
	s6 =	simm.s32 $_tile_overlayer_lowered  }
0xa1: {  	s22 =	simm.s32 $0x1BFF;
	s21 =	sshll.u32 s6, $0x1;
	s3 =	sadd.s32 s19, s18  }
0xa2: {  	s7 =	simm.s32 $0x0;
	s20 =	sshll.u32 s5, $0x1;
	s5 =	sadd.s32 s21, s3  }
0xa3: {  	[timem:s7], [sflag:s22] =	dma.local [hbm:s5], s20  }
0xa4: {  	_ =	swait.ge [sflag:s22], s20  }
0xa5: {  	s4 =	ssub.s32 $0x0, s20;
	[sflag:s22] =	ssyncset.done $0x0  }
0xa6: {  	[sflag:s22] =	ssyncadd.s32 s4;
	_ =	sdelay $0x1  }
0xa7: {  	s23 =	simm.s32 $0x1B8B  }
0xa8: {  	_ =	swait.ge [sflag:s23], $0x1  }
0xa9: {  	[sflag:s23] =	ssyncset.done $0x0  }
0xaa: {  	s25 =	simm.s32 $0x1B8E;
	s24 =	sld [smem:$0x3FFE];
	[sflag:s23] =	ssyncadd.s32 $0xFFFFFFFF  }
0xab: {  	s26 =	simm.s32 $execute0_lowered;
	[smem:$0x3FD2] =	sst s25  }
0xac: {  	s5 =	sshll.u32 s26, $0x1;
	_ =	strace $0x80000046;
	[dreg:$0x1] =	wrdreg $0xFFFFFFFF  }
0xad: {  	s28 =	simm.s32 $_size_execute0_lowered;
	s3 =	sadd.s32 s3, s5;
	[dreg:$0x0] =	wrdreg $0x0  }
0xae: {  	s5 =	sshll.u32 s28, $0x1;
	[dreg:$0x2] =	wrdreg s3  }
0xaf: {  	[dreg:$0x3] =	wrdreg s5  }
0xb0: {  	[dreg:$0x4] =	wrdreg $0xC0  }
0xb1: {  	_ =	task [dreg:s7], $0x5FFFF  }
0xb2: {  	[dreg:$0x1] =	wrdreg $0xFFFFFFFF  }
0xb3: {  	[dreg:$0x0] =	wrdreg $0x60  }
0xb4: {  	[dreg:$0x2] =	wrdreg s16  }
0xb5: {  	[dreg:$0x3] =	wrdreg s24  }
0xb6: {  	[dreg:$0x4] =	wrdreg $0x9  }
0xb7: {  	_ =	task.clear_ibuf [dreg:s7], $0x5FFFF;
	_ =	strace $0x90000046  }
0xb8: {  	s29 =	simm.s32 $0x9;
	_ =	strace $0x80000048  }
0xb9: {  	_ =	swait.ge [sflag:s29], $0x1  }
0xba: {  	[sflag:s29] =	ssyncadd.s32 $0xFFFFFFFF  }
0xbb: {  	_ =	strace $0x90000048  }
0xbc: {  	_ =	sfence  }
0xbd: {  	s30 =	sld [smem:$0x0];
	_ =	sdelay $0x2  }
0xbe: {  	s31 =	sshll.u32 s1, $0xD;
	s1 =	sshrl.u32 s1, $0x2  }
0xbf: {  	s3 =	sand.u32 $0x4000, s31;
	s1 =	sadd.s32 s1, s30  }
0xc0: {  	s0 =	sor.u32 s3, s0;
	s1 =	sshll.u32 s1, $0x11  }
0xc1: {  	s0 =	sor.u32 s1, s0  }
0xc2: {  	s0 =	sadd.s32 $0x8F2B, s0  }
0xc3: {  	[sflag:s0] =	ssyncadd.remote.s32 $0x1  }
0xc4: {  	_ =	sfence.sel $0xFFFF  }
0xc5: {  	[dreg:$0x0] =	wrdreg $0xFFFFFFFF;
	(pc) =	sbr.abs _section_cstart, $3  }
0xc6: {  	[dreg:$0x1] =	wrdreg $0xFFFFFFFF  }
0xc7: {  	_ =	task.clear_ibuf [dreg:s7], $0x2FFFF;
	_ =	strace $0x9FFFFFFF  }
0xc8: {  	(tm) =	ssettm $0x7FFFFFFF  }
0xc9: {  	_ =	shalt  }
tec
execute0_lowered:
.L_overlay_start_1:
0x0: {  	(tag) =	ssettag $0x1  }
0x1: {  	s1 =	srdreg.scid;
	s0 =	stileid.u32  }
0x2: {  	s18 =	sand.u32 $0x1, s1;
	s29 =	sshll.u32 s0, $0x1  }
0x3: {  	s2 =	rddreg [dreg:$0x0];
	s19 =	sor.u32 s18, s29  }
0x4: {  	s20 =	rddreg [dreg:$0x1];
	s4 =	smul.u32 $0x48, s19  }
0x5: {  	s3 =	simm.s32 $0x0;
	s1 =	rddreg [dreg:$0x2]  }
0x6: {  	[smem:$0x7FF] =	sst s3;
	s4 =	sadd.s32 s4, s20  }
0x7: {  	_ =	strace $0x80000047;
	s5 =	sadd.s32 $0x200, s4;
	s4 =	simm.s32 $0x2  }
0x8: {  	[tilespmem:s3], [sflag:$0x2] =	stream.linear.gather [hbm4b:s5+s3], $0x240, $0x38;
	[tilespmem:$0x12280] =	vst v63  }
0x9: {  	_ =	swait.ge [sflag:s4], $0x240  }
0xa: {  	[sflag:s4] =	ssyncset.done $0x0  }
0xb: {  	s6 =	simm.s32 $0x60;
	s7 =	simm.s32 $0x280;
	[sflag:s4] =	ssyncadd.s32 $0xFFFFFDC0  }
0xc: {  	[tilespmem:s7], [sflag:$0x1] =	stream.indirect.gather [hbm4b:s2+s6], $0x80, s3, s6, $0xb8;
	[tilespmem:$0x12280] =	vst v63  }
0xd: {  	s8 =	simm.s32 $0x3280  }
0xe: {  	[tilespmem:s8], [sflag:$0x1] =	stream.indirect.gather [hbm4b:s2+s6], $0x80, s6, s6, $0xb8;
	[tilespmem:$0x12280] =	vst v63  }
0xf: {  	s9 =	simm.s32 $0xC0;
	s10 =	simm.s32 $0x6280  }
0x10: {  	[tilespmem:s10], [sflag:$0x1] =	stream.indirect.gather [hbm4b:s2+s6], $0x80, s9, s6, $0xb8;
	[tilespmem:$0x12280] =	vst v63  }
0x11: {  	s11 =	simm.s32 $0x120;
	s12 =	simm.s32 $0x9280  }
0x12: {  	[tilespmem:s12], [sflag:$0x1] =	stream.indirect.gather [hbm4b:s2+s6], $0x80, s11, s6, $0xb8;
	[tilespmem:$0x12280] =	vst v63  }
0x13: {  	s13 =	simm.s32 $0x180;
	s14 =	simm.s32 $0xC280  }
0x14: {  	[tilespmem:s14], [sflag:$0x1] =	stream.indirect.gather [hbm4b:s2+s6], $0x80, s13, s6, $0xb8;
	[tilespmem:$0x12280] =	vst v63  }
0x15: {  	s15 =	simm.s32 $0x1E0;
	s16 =	simm.s32 $0xF280;
	s17 =	simm.s32 $0x1  }
0x16: {  	[tilespmem:s16], [sflag:$0x1] =	stream.indirect.gather [hbm4b:s2+s6], $0x80, s15, s6, $0xb8;
	[tilespmem:$0x12280] =	vst v63  }
0x17: {  	_ =	swait.ge [sflag:s17], $0x3000  }
0x18: {  	[sflag:s17] =	ssyncset.done $0x0  }
0x19: {  	[sflag:s17] =	ssyncadd.s32 $0xFFFFD000  }
0x1a: {  	_ =	swait.ge [sflag:s17], $0x3000  }
0x1b: {  	[sflag:s17] =	ssyncset.done $0x0  }
0x1c: {  	[sflag:s17] =	ssyncadd.s32 $0xFFFFD000  }
0x1d: {  	_ =	swait.ge [sflag:s17], $0x3000  }
0x1e: {  	[sflag:s17] =	ssyncset.done $0x0  }
0x1f: {  	[sflag:s17] =	ssyncadd.s32 $0xFFFFD000  }
0x20: {  	_ =	swait.ge [sflag:s17], $0x3000  }
0x21: {  	[sflag:s17] =	ssyncset.done $0x0  }
0x22: {  	s18 =	ssub.s32 $0x2, s18;
	[sflag:s17] =	ssyncadd.s32 $0xFFFFD000  }
0x23: {  	s21 =	sshrl.u32 s18, $0x1;
	_ =	swait.ge [sflag:s17], $0x3000  }
0x24: {  	s30 =	ssub.s32 s18, s21;
	[sflag:s17] =	ssyncset.done $0x0  }
0x25: {  	s19 =	smul.u32 $0x2400, s19;
	s31 =	smax.u32 s30, $0x1;
	[sflag:s17] =	ssyncadd.s32 $0xFFFFD000  }
0x26: {  	p0 =	sne.s32 s31, $0x1;
	_ =	swait.ge [sflag:s17], $0x3000  }
.Ltmp0:
0x27: {  	s19 =	sadd.s32 s19, s20;
	[sflag:s17] =	ssyncset.done $0x0;
	(pc) =	sbr.rel @!p0 .LBB2_2-.Ltmp0, $4  }
0x28: {  	s18 =	sadd.s32 $0xC00, s19;
	[sflag:s17] =	ssyncadd.s32 $0xFFFFD000  }
0x29: {  	[hbm4b:s18+s3] =	stream.linear.scatter [tilespmem:s7], [sflag:$0x2], $0x12000, $0x38;
	[tilespmem:$0x12280] =	vst v63  }
0x2a: {  	_ =	swait.ge [sflag:s4], $0x12000  }
0x2b: {  	s19 =	sadd.s32 $0xFFFFFFFF, s31;
	[sflag:s4] =	ssyncset.done $0x0  }
.LBB2_1:
0x2c: {  	p0 =	sne.s32 s19, $0x1;
	s19 =	sadd.s32 $0xFFFFFFFF, s19;
	[sflag:s4] =	ssyncadd.s32 $0xFFFEE000  }
0x2d: {  	[tilespmem:s3], [sflag:$0x2] =	stream.linear.gather [hbm4b:s5+s3], $0x240, $0x38;
	[tilespmem:$0x12280] =	vst v63  }
0x2e: {  	_ =	swait.ge [sflag:s4], $0x240  }
0x2f: {  	[sflag:s4] =	ssyncset.done $0x0  }
0x30: {  	[sflag:s4] =	ssyncadd.s32 $0xFFFFFDC0  }
0x31: {  	[tilespmem:s7], [sflag:$0x1] =	stream.indirect.gather [hbm4b:s2+s6], $0x80, s3, s6, $0xb8;
	[tilespmem:$0x12280] =	vst v63  }
0x32: {  	_ = 	snop  }
0x33: {  	[tilespmem:s8], [sflag:$0x1] =	stream.indirect.gather [hbm4b:s2+s6], $0x80, s6, s6, $0xb8;
	[tilespmem:$0x12280] =	vst v63  }
0x34: {  	_ = 	snop  }
0x35: {  	[tilespmem:s10], [sflag:$0x1] =	stream.indirect.gather [hbm4b:s2+s6], $0x80, s9, s6, $0xb8;
	[tilespmem:$0x12280] =	vst v63  }
0x36: {  	_ = 	snop  }
0x37: {  	[tilespmem:s12], [sflag:$0x1] =	stream.indirect.gather [hbm4b:s2+s6], $0x80, s11, s6, $0xb8;
	[tilespmem:$0x12280] =	vst v63  }
0x38: {  	_ = 	snop  }
0x39: {  	[tilespmem:s14], [sflag:$0x1] =	stream.indirect.gather [hbm4b:s2+s6], $0x80, s13, s6, $0xb8;
	[tilespmem:$0x12280] =	vst v63  }
0x3a: {  	_ = 	snop  }
0x3b: {  	[tilespmem:s16], [sflag:$0x1] =	stream.indirect.gather [hbm4b:s2+s6], $0x80, s15, s6, $0xb8;
	[tilespmem:$0x12280] =	vst v63  }
0x3c: {  	_ =	swait.ge [sflag:s17], $0x3000  }
0x3d: {  	[sflag:s17] =	ssyncset.done $0x0  }
0x3e: {  	[sflag:s17] =	ssyncadd.s32 $0xFFFFD000  }
0x3f: {  	_ =	swait.ge [sflag:s17], $0x3000  }
0x40: {  	[sflag:s17] =	ssyncset.done $0x0  }
0x41: {  	[sflag:s17] =	ssyncadd.s32 $0xFFFFD000  }
0x42: {  	_ =	swait.ge [sflag:s17], $0x3000  }
0x43: {  	[sflag:s17] =	ssyncset.done $0x0  }
0x44: {  	[sflag:s17] =	ssyncadd.s32 $0xFFFFD000  }
0x45: {  	_ =	swait.ge [sflag:s17], $0x3000  }
0x46: {  	[sflag:s17] =	ssyncset.done $0x0  }
0x47: {  	[sflag:s17] =	ssyncadd.s32 $0xFFFFD000  }
0x48: {  	_ =	swait.ge [sflag:s17], $0x3000  }
0x49: {  	[sflag:s17] =	ssyncset.done $0x0  }
0x4a: {  	[sflag:s17] =	ssyncadd.s32 $0xFFFFD000  }
0x4b: {  	_ =	swait.ge [sflag:s17], $0x3000  }
.Ltmp1:
0x4c: {  	[sflag:s17] =	ssyncset.done $0x0;
	(pc) =	sbr.rel @p0 .LBB2_1-.Ltmp1, $4  }
0x4d: {  	[sflag:s17] =	ssyncadd.s32 $0xFFFFD000  }
0x4e: {  	[hbm4b:s18+s3] =	stream.linear.scatter [tilespmem:s7], [sflag:$0x2], $0x12000, $0x38;
	[tilespmem:$0x12280] =	vst v63  }
0x4f: {  	_ =	swait.ge [sflag:s4], $0x12000  }
0x50: {  	[sflag:s4] =	ssyncset.done $0x0  }
.LBB2_2:
0x51: {  	[sflag:s4] =	ssyncadd.s32 $0xFFFEE000  }
0x52: {  	_ =	sfence.sel $0x180000  }
0x53: {  	[bflag:$0x0] =	sbarrier.arrive $0xFFFF  }
0x54: {  	p0 =	sne.s32 s0, $0x0;
	_ =	strace $0x90000047  }
0x55: {  	s0 =	sadd.s32 @!p0 $0x100000, s1;
	[bflag:$0x2] =	sbarrier.arrive $0xFFFF  }
0x56: {  	[sflag:s0] =	ssyncadd.tile.s32 @!p0 $0x1;
	_ =	shalt  }
.Lfunc_end2:
_tile_overlayer_lowered:
.L_overlay_start_2:
0x57: {  	(tag) =	ssettag $0x2  }
0x58: {  	s0 =	rddreg [dreg:$0x0];
	s2 =	stileid.u32  }
0x59: {  	s1 =	rddreg [dreg:$0x1];
	p0 =	sne.s32 s2, $0x0  }
0x5a: {  	s3 =	rddreg [dreg:$0x2];
	[bflag:$0x3] =	sbarrier.arrive $0xFFFF;
	s2 =	simm.s32 @!p0 $0x1C02  }
0x5b: {  	[timem:s3], [sflag:s2] =	dma.local @!p0 [hbm:s0], s1  }
0x5c: {  	s0 =	simm.s32 @!p0 $0x2  }
0x5d: {  	_ =	swait.ge @!p0 [sflag:s0], s1  }
0x5e: {  	s1 =	ssub.s32 @!p0 $0x0, s1;
	[sflag:s0] =	ssyncset.done @!p0 $0x0  }
0x5f: {  	[sflag:s0] =	ssyncadd.s32 @!p0 s1  }
0x60: {  	[bflag:$0x3] =	sbarrier.arrive $0xFFFF  }
0x61: {  	_ =	shalt  }

</sc_bundles>
